<compile_context>
chip_gen: v7x
topology: tpu7x:2x2x1
jax: 0.10.2.dev20260603
libtpu: 0.0.44.dev20260713+nightly
codegen_flags: <defaults>
</compile_context>

<pallas_src>
import functools

import jax
import jax.numpy as jnp
from jax import lax
from jax.experimental import pallas as pl
from jax.experimental.pallas import tpu as pltpu
from jax.experimental.pallas import tpu_sc as plsc

B = 16384
D = 32
B2 = 2 * B
V = 1000000
NW = 32
BPW = B2 // NW
CH = 128
NCH = BPW // CH
TW = 128
BLKC = 65536
GW = BLKC // 4
SH = BLKC.bit_length() - 1
NGP = (V + BLKC - 1) // BLKC
TR = NGP * GW

ATT = 64
BLK = 1024


def _tc_pack(tableT, e4):

  def body(x_ref, e_ref, o_ref):
    x = x_ref[...].astype(jnp.bfloat16)
    xs = jnp.concatenate([x[:, GW * v:GW * (v + 1)] for v in range(4)],
                         axis=0)
    o_ref[...] = lax.dot_general(
        xs, e_ref[...], (((0,), (0,)), ((), ())),
        preferred_element_type=jnp.float32)

  return pl.pallas_call(
      body,
      grid=(NGP,),
      in_specs=[
          pl.BlockSpec((D, BLKC), lambda g: (0, g)),
          pl.BlockSpec((TW, TW), lambda g: (0, 0)),
      ],
      out_specs=pl.BlockSpec((GW, TW), lambda g: (g, 0)),
      out_shape=jax.ShapeDtypeStruct((TR, TW), jnp.float32),
  )(tableT, e4)


def _sc_gather(table128, idx2d):
  mesh = plsc.VectorSubcoreMesh(core_axis_name="c", subcore_axis_name="s")
  HC = CH // 2

  @functools.partial(
      pl.kernel,
      mesh=mesh,
      out_type=jax.ShapeDtypeStruct((B, 2 * TW), jnp.float32),
      scratch_types=[
          pltpu.VMEM((NCH, CH), jnp.int32),
          pltpu.VMEM((HC, TW), jnp.float32),
          pltpu.VMEM((HC, TW), jnp.float32),
          pltpu.VMEM((HC, TW), jnp.float32),
          pltpu.VMEM((HC, TW), jnp.float32),
          pltpu.SemaphoreType.DMA,
          pltpu.SemaphoreType.DMA,
          pltpu.SemaphoreType.DMA,
          pltpu.SemaphoreType.DMA,
          pltpu.SemaphoreType.DMA,
          pltpu.SemaphoreType.DMA,
          pltpu.SemaphoreType.DMA,
          pltpu.SemaphoreType.DMA,
      ],
  )
  def k(table_hbm, idx_hbm, out_hbm, idx_v, bA0, bA1, bB0, bB1,
        gA0, gA1, gB0, gB1, wA0, wA1, wB0, wB1):
    wid = lax.axis_index("s") * 2 + lax.axis_index("c")
    pltpu.sync_copy(idx_hbm.at[pl.ds(wid * NCH, NCH)], idx_v)
    bufsA = (bA0, bA1)
    bufsB = (bB0, bB1)
    gsemA = (gA0, gA1)
    gsemB = (gB0, gB1)
    wsemA = (wA0, wA1)
    wsemB = (wB0, wB1)
    gcA = [None, None]
    gcB = [None, None]
    wcA = [None, None]
    wcB = [None, None]

    def issue_write(q, j):
      gcA[q].wait()
      gcB[q].wait()
      base = (wid * NCH + j) * HC
      wcA[q] = pltpu.async_copy(
          bufsA[q], out_hbm.at[pl.ds(base, HC), pl.ds(0, TW)], wsemA[q])
      wcB[q] = pltpu.async_copy(
          bufsB[q], out_hbm.at[pl.ds(base, HC), pl.ds(TW, TW)], wsemB[q])

    for j in range(NCH):
      p = j % 2
      if wcA[p] is not None:
        wcA[p].wait()
        wcB[p].wait()
      gcA[p] = pltpu.async_copy(
          table_hbm.at[idx_v.at[j, pl.ds(0, HC)]], bufsA[p], gsemA[p])
      gcB[p] = pltpu.async_copy(
          table_hbm.at[idx_v.at[j, pl.ds(HC, HC)]], bufsB[p], gsemB[p])
      if j >= 1:
        issue_write((j - 1) % 2, j - 1)
    issue_write((NCH - 1) % 2, NCH - 1)
    wcA[0].wait()
    wcA[1].wait()
    wcB[0].wait()
    wcB[1].wait()

  return k(table128, idx2d)


def _tc_scorer(em2, grp, w1rep, b1r, w2, b2r):

  def body(em_ref, g_ref, w1_ref, b1_ref, w2_ref, b2_ref, o_ref):
    em = em_ref[...].astype(jnp.float32)
    g0 = g_ref[:, 0:1]
    g1 = g_ref[:, 1:2]
    lane = lax.broadcasted_iota(jnp.int32, (BLK, 2 * TW), 1)
    want = jnp.where(lane < TW, g0, g1)
    x = jnp.where(((lane >> 5) & 3) == want, em, 0.0)
    h = jnp.tanh(
        lax.dot_general(
            x, w1_ref[...], (((1,), (0,)), ((), ())),
            preferred_element_type=jnp.float32,
        )
        + b1_ref[...]
    )
    o_ref[...] = (
        lax.dot_general(
            h, w2_ref[...], (((1,), (0,)), ((), ())),
            preferred_element_type=jnp.float32,
        )
        + b2_ref[...]
    )

  return pl.pallas_call(
      body,
      grid=(B // BLK,),
      in_specs=[
          pl.BlockSpec((BLK, 2 * TW), lambda i: (i, 0)),
          pl.BlockSpec((BLK, 2), lambda i: (i, 0)),
          pl.BlockSpec((2 * TW, ATT), lambda i: (0, 0)),
          pl.BlockSpec((1, ATT), lambda i: (0, 0)),
          pl.BlockSpec((ATT, 1), lambda i: (0, 0)),
          pl.BlockSpec((1, 1), lambda i: (0, 0)),
      ],
      out_specs=pl.BlockSpec((BLK, 1), lambda i: (i, 0)),
      out_shape=jax.ShapeDtypeStruct((B, 1), jnp.float32),
  )(em2, grp, w1rep, b1r, w2, b2r)


def kernel(inds, mask, table, W1, b1, W2, b2):
  e4 = jnp.eye(TW, dtype=jnp.bfloat16)
  table128 = _tc_pack(table.T, e4)
  rows = ((inds >> SH) << (SH - 2)) | (inds & (GW - 1))
  idx2d = jnp.concatenate(
      [rows[:, 0].reshape(NW * NCH, CH // 2),
       rows[:, 1].reshape(NW * NCH, CH // 2)], axis=1)
  grp = (inds >> (SH - 2)) & 3
  em2 = _sc_gather(table128, idx2d)
  w1rep = jnp.tile(W1, (8, 1)) * 0.5
  return _tc_scorer(em2, grp, w1rep, b1.reshape(1, ATT), W2,
                    b2.reshape(1, 1))

# --- scband reference (transcript-rebuilt; emitter-appended) ---
"""Pipeline reference for scband-model-40707700032174 (READ-ONLY COPY).

The authoritative reference and input builder live on the scoring server;
editing this copy changes nothing except your own understanding.
"""

import jax, jax.numpy as jnp
import numpy as np

VOCAB = 1000000
EM_DIM = 32
ATT_DIM = 64
BATCH = 16384

def setup_inputs(seed: int = 0) -> dict:
    key = jax.random.key(seed)
    k1, k2, k3, k4, k5, k6 = jax.random.split(key, 6)
    inds = jax.random.randint(k1, (BATCH, 2), 0, VOCAB, dtype=jnp.int64 if jax.config.jax_enable_x64 else jnp.int32)
    mask = jnp.ones((BATCH, 2), dtype=jnp.float32)
    table = jax.random.normal(k2, (VOCAB, EM_DIM), dtype=jnp.float32) * 0.02
    W1 = jax.random.normal(k3, (EM_DIM, ATT_DIM), dtype=jnp.float32) * (1.0 / np.sqrt(EM_DIM))
    b1 = jnp.zeros((ATT_DIM,), dtype=jnp.float32)
    W2 = jax.random.normal(k4, (ATT_DIM, 1), dtype=jnp.float32) * (1.0 / np.sqrt(ATT_DIM))
    b2 = jnp.zeros((1,), dtype=jnp.float32)
    return {"inds": inds, "mask": mask, "table": table, "W1": W1, "b1": b1, "W2": W2, "b2": b2}

def reference(inds, mask, table, W1, b1, W2, b2):
    # em_layer: embedding lookup of first two id columns
    em = jnp.take(table, inds[:, :2], axis=0)          # [B, 2, em_dim]
    # mp_layer (BaseMean_only_id): mean-pool over the id axis
    em_update = jnp.mean(em, axis=1)                    # [B, em_dim]
    # scorer (Scorers_only_id): small MLP producing a scalar score per row
    h = jnp.tanh(em_update @ W1 + b1)                   # [B, att_dim]
    scores = h @ W2 + b2                                # [B, 1]
    return scores

if __name__ == "__main__":
    import jax
    _d = setup_inputs()
    print(jax.jit(kernel)(*tuple(_d.values())))

</pallas_src>

<mosaic_0001>
#map = affine_map<(d0, d1) -> (0, 0)>
module attributes {stable_mosaic.version = 14 : i64} {
  func.func @k(%arg0: i32, %arg1: i32, %arg2: memref<262144x128xf32, #tpu.memory_space<hbm>>, %arg3: memref<256x128xi32, #tpu.memory_space<hbm>>, %arg4: memref<16384x256xf32, #tpu.memory_space<hbm>>, %arg5: memref<8x128xi32, #tpu.memory_space<vmem>>, %arg6: memref<64x128xf32, #tpu.memory_space<vmem>>, %arg7: memref<64x128xf32, #tpu.memory_space<vmem>>, %arg8: memref<64x128xf32, #tpu.memory_space<vmem>>, %arg9: memref<64x128xf32, #tpu.memory_space<vmem>>, %arg10: memref<!tpu.dma_semaphore, #tpu.memory_space<semaphore_mem>>, %arg11: memref<!tpu.dma_semaphore, #tpu.memory_space<semaphore_mem>>, %arg12: memref<!tpu.dma_semaphore, #tpu.memory_space<semaphore_mem>>, %arg13: memref<!tpu.dma_semaphore, #tpu.memory_space<semaphore_mem>>, %arg14: memref<!tpu.dma_semaphore, #tpu.memory_space<semaphore_mem>>, %arg15: memref<!tpu.dma_semaphore, #tpu.memory_space<semaphore_mem>>, %arg16: memref<!tpu.dma_semaphore, #tpu.memory_space<semaphore_mem>>, %arg17: memref<!tpu.dma_semaphore, #tpu.memory_space<semaphore_mem>>) attributes {dimension_semantics = [#tpu.dimension_semantics<core_parallel>, #tpu.dimension_semantics<subcore_parallel>], iteration_bounds = array<i64: 2, 16>, scalar_prefetch = 0 : i64, scratch_operands = 13 : i64, tpu.core_type = #tpu.core_type<sc_vector_subcore>, window_params = [{transform_indices = #map}, {transform_indices = #map}, {transform_indices = #map}]} {
    %mul3A = arith.constant 2 : i32
    %mul3A_0 = arith.muli %arg1, %mul3A : i32
    %add3A = arith.addi %mul3A_0, %arg0 : i32
    %mul3A_1 = arith.constant 8 : i32
    %mul3A_2 = arith.muli %add3A, %mul3A_1 : i32
    "tpu.region"() ({
      %run_scoped3A = tpu.sem_alloc : memref<!tpu.dma_semaphore, #tpu.memory_space<semaphore_mem>>
      %dma_start3A_401 = arith.constant 0 : i32
      %dma_start3A_402 = tpu.memref_slice %arg3[%mul3A_2, %dma_start3A_401] : memref<256x128xi32, #tpu.memory_space<hbm>> -> memref<8x128xi32, #tpu.memory_space<hbm>>
      %dma_start3A_403 = arith.constant 0 : i32
      %dma_start3A_404 = tpu.memref_slice %arg3[%mul3A_2, %dma_start3A_403] : memref<256x128xi32, #tpu.memory_space<hbm>> -> memref<8x128xi32, #tpu.memory_space<hbm>>
      tpu.enqueue_dma source(%dma_start3A_404 : memref<8x128xi32, #tpu.memory_space<hbm>>) target(%arg5 : memref<8x128xi32, #tpu.memory_space<vmem>>) target_semaphore(%run_scoped3A : memref<!tpu.dma_semaphore, #tpu.memory_space<semaphore_mem>>)
      %dma_wait3A_405 = arith.constant 0 : i32
      %dma_wait3A_406 = tpu.memref_slice %arg3[%mul3A_2, %dma_wait3A_405] : memref<256x128xi32, #tpu.memory_space<hbm>> -> memref<8x128xi32, #tpu.memory_space<hbm>>
      %dma_wait3A_407 = arith.constant 0 : i32
      %dma_wait3A_408 = tpu.memref_slice %arg3[%mul3A_2, %dma_wait3A_407] : memref<256x128xi32, #tpu.memory_space<hbm>> -> memref<8x128xi32, #tpu.memory_space<hbm>>
      tpu.wait_dma2 semaphore(%run_scoped3A : memref<!tpu.dma_semaphore, #tpu.memory_space<semaphore_mem>>) src(%dma_wait3A_408 : memref<8x128xi32, #tpu.memory_space<hbm>>) dst(%arg5 : memref<8x128xi32, #tpu.memory_space<vmem>>)
      tpu.yield
    }) : () -> ()
    %dma_start3A = arith.constant 0 : i32
    %dma_start3A_3 = arith.constant 0 : i32
    %dma_start3A_4 = tpu.memref_slice %arg5[%dma_start3A, %dma_start3A_3] : memref<8x128xi32, #tpu.memory_space<vmem>> -> memref<1x64xi32, #tpu.memory_space<vmem>>
    %dma_start3A_5 = tpu.memref_squeeze %dma_start3A_4 : memref<1x64xi32, #tpu.memory_space<vmem>> -> memref<64xi32, #tpu.memory_space<vmem>>
    %dma_start3A_6 = arith.constant 0 : i32
    %dma_start3A_7 = arith.constant 0 : i32
    %dma_start3A_8 = tpu.memref_slice %arg2[%dma_start3A_6, %dma_start3A_7] : memref<262144x128xf32, #tpu.memory_space<hbm>> -> memref<262144x128xf32, #tpu.memory_space<hbm>>
    tpu.enqueue_indirect_dma source(%dma_start3A_8 : memref<262144x128xf32, #tpu.memory_space<hbm>>) target(%arg6 : memref<64x128xf32, #tpu.memory_space<vmem>>) offsets(%dma_start3A_5 : memref<64xi32, #tpu.memory_space<vmem>>) semaphore(%arg10 : memref<!tpu.dma_semaphore, #tpu.memory_space<semaphore_mem>>)
    %dma_start3A_9 = arith.constant 0 : i32
    %dma_start3A_10 = arith.constant 64 : i32
    %dma_start3A_11 = tpu.memref_slice %arg5[%dma_start3A_9, %dma_start3A_10] : memref<8x128xi32, #tpu.memory_space<vmem>> -> memref<1x64xi32, #tpu.memory_space<vmem>>
    %dma_start3A_12 = tpu.memref_squeeze %dma_start3A_11 : memref<1x64xi32, #tpu.memory_space<vmem>> -> memref<64xi32, #tpu.memory_space<vmem>>
    %dma_start3A_13 = arith.constant 0 : i32
    %dma_start3A_14 = arith.constant 0 : i32
    %dma_start3A_15 = tpu.memref_slice %arg2[%dma_start3A_13, %dma_start3A_14] : memref<262144x128xf32, #tpu.memory_space<hbm>> -> memref<262144x128xf32, #tpu.memory_space<hbm>>
    tpu.enqueue_indirect_dma source(%dma_start3A_15 : memref<262144x128xf32, #tpu.memory_space<hbm>>) target(%arg8 : memref<64x128xf32, #tpu.memory_space<vmem>>) offsets(%dma_start3A_12 : memref<64xi32, #tpu.memory_space<vmem>>) semaphore(%arg12 : memref<!tpu.dma_semaphore, #tpu.memory_space<semaphore_mem>>)
    %dma_start3A_16 = arith.constant 1 : i32
    %dma_start3A_17 = arith.constant 0 : i32
    %dma_start3A_18 = tpu.memref_slice %arg5[%dma_start3A_16, %dma_start3A_17] : memref<8x128xi32, #tpu.memory_space<vmem>> -> memref<1x64xi32, #tpu.memory_space<vmem>>
    %dma_start3A_19 = tpu.memref_squeeze %dma_start3A_18 : memref<1x64xi32, #tpu.memory_space<vmem>> -> memref<64xi32, #tpu.memory_space<vmem>>
    %dma_start3A_20 = arith.constant 0 : i32
    %dma_start3A_21 = arith.constant 0 : i32
    %dma_start3A_22 = tpu.memref_slice %arg2[%dma_start3A_20, %dma_start3A_21] : memref<262144x128xf32, #tpu.memory_space<hbm>> -> memref<262144x128xf32, #tpu.memory_space<hbm>>
    tpu.enqueue_indirect_dma source(%dma_start3A_22 : memref<262144x128xf32, #tpu.memory_space<hbm>>) target(%arg7 : memref<64x128xf32, #tpu.memory_space<vmem>>) offsets(%dma_start3A_19 : memref<64xi32, #tpu.memory_space<vmem>>) semaphore(%arg11 : memref<!tpu.dma_semaphore, #tpu.memory_space<semaphore_mem>>)
    %dma_start3A_23 = arith.constant 1 : i32
    %dma_start3A_24 = arith.constant 64 : i32
    %dma_start3A_25 = tpu.memref_slice %arg5[%dma_start3A_23, %dma_start3A_24] : memref<8x128xi32, #tpu.memory_space<vmem>> -> memref<1x64xi32, #tpu.memory_space<vmem>>
    %dma_start3A_26 = tpu.memref_squeeze %dma_start3A_25 : memref<1x64xi32, #tpu.memory_space<vmem>> -> memref<64xi32, #tpu.memory_space<vmem>>
    %dma_start3A_27 = arith.constant 0 : i32
    %dma_start3A_28 = arith.constant 0 : i32
    %dma_start3A_29 = tpu.memref_slice %arg2[%dma_start3A_27, %dma_start3A_28] : memref<262144x128xf32, #tpu.memory_space<hbm>> -> memref<262144x128xf32, #tpu.memory_space<hbm>>
    tpu.enqueue_indirect_dma source(%dma_start3A_29 : memref<262144x128xf32, #tpu.memory_space<hbm>>) target(%arg9 : memref<64x128xf32, #tpu.memory_space<vmem>>) offsets(%dma_start3A_26 : memref<64xi32, #tpu.memory_space<vmem>>) semaphore(%arg13 : memref<!tpu.dma_semaphore, #tpu.memory_space<semaphore_mem>>)
    %dma_wait3A = arith.constant 0 : i32
    %dma_wait3A_30 = arith.constant 0 : i32
    %dma_wait3A_31 = tpu.memref_slice %arg5[%dma_wait3A, %dma_wait3A_30] : memref<8x128xi32, #tpu.memory_space<vmem>> -> memref<1x64xi32, #tpu.memory_space<vmem>>
    %dma_wait3A_32 = tpu.memref_squeeze %dma_wait3A_31 : memref<1x64xi32, #tpu.memory_space<vmem>> -> memref<64xi32, #tpu.memory_space<vmem>>
    %dma_wait3A_33 = arith.constant 0 : i32
    %dma_wait3A_34 = arith.constant 0 : i32
    %dma_wait3A_35 = tpu.memref_slice %arg2[%dma_wait3A_33, %dma_wait3A_34] : memref<262144x128xf32, #tpu.memory_space<hbm>> -> memref<262144x128xf32, #tpu.memory_space<hbm>>
    tpu.wait_indirect_dma semaphore(%arg10 : memref<!tpu.dma_semaphore, #tpu.memory_space<semaphore_mem>>) src(%dma_wait3A_35 : memref<262144x128xf32, #tpu.memory_space<hbm>>) dst(%arg6 : memref<64x128xf32, #tpu.memory_space<vmem>>)
    %dma_wait3A_36 = arith.constant 0 : i32
    %dma_wait3A_37 = arith.constant 64 : i32
    %dma_wait3A_38 = tpu.memref_slice %arg5[%dma_wait3A_36, %dma_wait3A_37] : memref<8x128xi32, #tpu.memory_space<vmem>> -> memref<1x64xi32, #tpu.memory_space<vmem>>
    %dma_wait3A_39 = tpu.memref_squeeze %dma_wait3A_38 : memref<1x64xi32, #tpu.memory_space<vmem>> -> memref<64xi32, #tpu.memory_space<vmem>>
    %dma_wait3A_40 = arith.constant 0 : i32
    %dma_wait3A_41 = arith.constant 0 : i32
    %dma_wait3A_42 = tpu.memref_slice %arg2[%dma_wait3A_40, %dma_wait3A_41] : memref<262144x128xf32, #tpu.memory_space<hbm>> -> memref<262144x128xf32, #tpu.memory_space<hbm>>
    tpu.wait_indirect_dma semaphore(%arg12 : memref<!tpu.dma_semaphore, #tpu.memory_space<semaphore_mem>>) src(%dma_wait3A_42 : memref<262144x128xf32, #tpu.memory_space<hbm>>) dst(%arg8 : memref<64x128xf32, #tpu.memory_space<vmem>>)
    %mul3A_43 = arith.constant 8 : i32
    %mul3A_44 = arith.muli %add3A, %mul3A_43 : i32
    %add3A_45 = arith.constant 0 : i32
    %add3A_46 = arith.addi %mul3A_44, %add3A_45 : i32
    %mul3A_47 = arith.constant 64 : i32
    %mul3A_48 = arith.muli %add3A_46, %mul3A_47 : i32
    %dma_start3A_49 = arith.constant 0 : i32
    %dma_start3A_50 = tpu.memref_slice %arg4[%mul3A_48, %dma_start3A_49] : memref<16384x256xf32, #tpu.memory_space<hbm>> -> memref<64x128xf32, #tpu.memory_space<hbm>>
    %dma_start3A_51 = arith.constant 0 : i32
    %dma_start3A_52 = tpu.memref_slice %arg4[%mul3A_48, %dma_start3A_51] : memref<16384x256xf32, #tpu.memory_space<hbm>> -> memref<64x128xf32, #tpu.memory_space<hbm>>
    tpu.enqueue_dma source(%arg6 : memref<64x128xf32, #tpu.memory_space<vmem>>) target(%dma_start3A_52 : memref<64x128xf32, #tpu.memory_space<hbm>>) target_semaphore(%arg14 : memref<!tpu.dma_semaphore, #tpu.memory_space<semaphore_mem>>)
    %dma_start3A_53 = arith.constant 128 : i32
    %dma_start3A_54 = tpu.memref_slice %arg4[%mul3A_48, %dma_start3A_53] : memref<16384x256xf32, #tpu.memory_space<hbm>> -> memref<64x128xf32, #tpu.memory_space<hbm>>
    %dma_start3A_55 = arith.constant 128 : i32
    %dma_start3A_56 = tpu.memref_slice %arg4[%mul3A_48, %dma_start3A_55] : memref<16384x256xf32, #tpu.memory_space<hbm>> -> memref<64x128xf32, #tpu.memory_space<hbm>>
    tpu.enqueue_dma source(%arg8 : memref<64x128xf32, #tpu.memory_space<vmem>>) target(%dma_start3A_56 : memref<64x128xf32, #tpu.memory_space<hbm>>) target_semaphore(%arg16 : memref<!tpu.dma_semaphore, #tpu.memory_space<semaphore_mem>>)
    %dma_wait3A_57 = arith.constant 0 : i32
    %dma_wait3A_58 = tpu.memref_slice %arg4[%mul3A_48, %dma_wait3A_57] : memref<16384x256xf32, #tpu.memory_space<hbm>> -> memref<64x128xf32, #tpu.memory_space<hbm>>
    %dma_wait3A_59 = arith.constant 0 : i32
    %dma_wait3A_60 = tpu.memref_slice %arg4[%mul3A_48, %dma_wait3A_59] : memref<16384x256xf32, #tpu.memory_space<hbm>> -> memref<64x128xf32, #tpu.memory_space<hbm>>
    tpu.wait_dma2 semaphore(%arg14 : memref<!tpu.dma_semaphore, #tpu.memory_space<semaphore_mem>>) src(%arg6 : memref<64x128xf32, #tpu.memory_space<vmem>>) dst(%dma_wait3A_60 : memref<64x128xf32, #tpu.memory_space<hbm>>)
    %dma_wait3A_61 = arith.constant 128 : i32
    %dma_wait3A_62 = tpu.memref_slice %arg4[%mul3A_48, %dma_wait3A_61] : memref<16384x256xf32, #tpu.memory_space<hbm>> -> memref<64x128xf32, #tpu.memory_space<hbm>>
    %dma_wait3A_63 = arith.constant 128 : i32
    %dma_wait3A_64 = tpu.memref_slice %arg4[%mul3A_48, %dma_wait3A_63] : memref<16384x256xf32, #tpu.memory_space<hbm>> -> memref<64x128xf32, #tpu.memory_space<hbm>>
    tpu.wait_dma2 semaphore(%arg16 : memref<!tpu.dma_semaphore, #tpu.memory_space<semaphore_mem>>) src(%arg8 : memref<64x128xf32, #tpu.memory_space<vmem>>) dst(%dma_wait3A_64 : memref<64x128xf32, #tpu.memory_space<hbm>>)
    %dma_start3A_65 = arith.constant 2 : i32
    %dma_start3A_66 = arith.constant 0 : i32
    %dma_start3A_67 = tpu.memref_slice %arg5[%dma_start3A_65, %dma_start3A_66] : memref<8x128xi32, #tpu.memory_space<vmem>> -> memref<1x64xi32, #tpu.memory_space<vmem>>
    %dma_start3A_68 = tpu.memref_squeeze %dma_start3A_67 : memref<1x64xi32, #tpu.memory_space<vmem>> -> memref<64xi32, #tpu.memory_space<vmem>>
    %dma_start3A_69 = arith.constant 0 : i32
    %dma_start3A_70 = arith.constant 0 : i32
    %dma_start3A_71 = tpu.memref_slice %arg2[%dma_start3A_69, %dma_start3A_70] : memref<262144x128xf32, #tpu.memory_space<hbm>> -> memref<262144x128xf32, #tpu.memory_space<hbm>>
    tpu.enqueue_indirect_dma source(%dma_start3A_71 : memref<262144x128xf32, #tpu.memory_space<hbm>>) target(%arg6 : memref<64x128xf32, #tpu.memory_space<vmem>>) offsets(%dma_start3A_68 : memref<64xi32, #tpu.memory_space<vmem>>) semaphore(%arg10 : memref<!tpu.dma_semaphore, #tpu.memory_space<semaphore_mem>>)
    %dma_start3A_72 = arith.constant 2 : i32
    %dma_start3A_73 = arith.constant 64 : i32
    %dma_start3A_74 = tpu.memref_slice %arg5[%dma_start3A_72, %dma_start3A_73] : memref<8x128xi32, #tpu.memory_space<vmem>> -> memref<1x64xi32, #tpu.memory_space<vmem>>
    %dma_start3A_75 = tpu.memref_squeeze %dma_start3A_74 : memref<1x64xi32, #tpu.memory_space<vmem>> -> memref<64xi32, #tpu.memory_space<vmem>>
    %dma_start3A_76 = arith.constant 0 : i32
    %dma_start3A_77 = arith.constant 0 : i32
    %dma_start3A_78 = tpu.memref_slice %arg2[%dma_start3A_76, %dma_start3A_77] : memref<262144x128xf32, #tpu.memory_space<hbm>> -> memref<262144x128xf32, #tpu.memory_space<hbm>>
    tpu.enqueue_indirect_dma source(%dma_start3A_78 : memref<262144x128xf32, #tpu.memory_space<hbm>>) target(%arg8 : memref<64x128xf32, #tpu.memory_space<vmem>>) offsets(%dma_start3A_75 : memref<64xi32, #tpu.memory_space<vmem>>) semaphore(%arg12 : memref<!tpu.dma_semaphore, #tpu.memory_space<semaphore_mem>>)
    %dma_wait3A_79 = arith.constant 1 : i32
    %dma_wait3A_80 = arith.constant 0 : i32
    %dma_wait3A_81 = tpu.memref_slice %arg5[%dma_wait3A_79, %dma_wait3A_80] : memref<8x128xi32, #tpu.memory_space<vmem>> -> memref<1x64xi32, #tpu.memory_space<vmem>>
    %dma_wait3A_82 = tpu.memref_squeeze %dma_wait3A_81 : memref<1x64xi32, #tpu.memory_space<vmem>> -> memref<64xi32, #tpu.memory_space<vmem>>
    %dma_wait3A_83 = arith.constant 0 : i32
    %dma_wait3A_84 = arith.constant 0 : i32
    %dma_wait3A_85 = tpu.memref_slice %arg2[%dma_wait3A_83, %dma_wait3A_84] : memref<262144x128xf32, #tpu.memory_space<hbm>> -> memref<262144x128xf32, #tpu.memory_space<hbm>>
    tpu.wait_indirect_dma semaphore(%arg11 : memref<!tpu.dma_semaphore, #tpu.memory_space<semaphore_mem>>) src(%dma_wait3A_85 : memref<262144x128xf32, #tpu.memory_space<hbm>>) dst(%arg7 : memref<64x128xf32, #tpu.memory_space<vmem>>)
    %dma_wait3A_86 = arith.constant 1 : i32
    %dma_wait3A_87 = arith.constant 64 : i32
    %dma_wait3A_88 = tpu.memref_slice %arg5[%dma_wait3A_86, %dma_wait3A_87] : memref<8x128xi32, #tpu.memory_space<vmem>> -> memref<1x64xi32, #tpu.memory_space<vmem>>
    %dma_wait3A_89 = tpu.memref_squeeze %dma_wait3A_88 : memref<1x64xi32, #tpu.memory_space<vmem>> -> memref<64xi32, #tpu.memory_space<vmem>>
    %dma_wait3A_90 = arith.constant 0 : i32
    %dma_wait3A_91 = arith.constant 0 : i32
    %dma_wait3A_92 = tpu.memref_slice %arg2[%dma_wait3A_90, %dma_wait3A_91] : memref<262144x128xf32, #tpu.memory_space<hbm>> -> memref<262144x128xf32, #tpu.memory_space<hbm>>
    tpu.wait_indirect_dma semaphore(%arg13 : memref<!tpu.dma_semaphore, #tpu.memory_space<semaphore_mem>>) src(%dma_wait3A_92 : memref<262144x128xf32, #tpu.memory_space<hbm>>) dst(%arg9 : memref<64x128xf32, #tpu.memory_space<vmem>>)
    %mul3A_93 = arith.constant 8 : i32
    %mul3A_94 = arith.muli %add3A, %mul3A_93 : i32
    %add3A_95 = arith.constant 1 : i32
    %add3A_96 = arith.addi %mul3A_94, %add3A_95 : i32
    %mul3A_97 = arith.constant 64 : i32
    %mul3A_98 = arith.muli %add3A_96, %mul3A_97 : i32
    %dma_start3A_99 = arith.constant 0 : i32
    %dma_start3A_100 = tpu.memref_slice %arg4[%mul3A_98, %dma_start3A_99] : memref<16384x256xf32, #tpu.memory_space<hbm>> -> memref<64x128xf32, #tpu.memory_space<hbm>>
    %dma_start3A_101 = arith.constant 0 : i32
    %dma_start3A_102 = tpu.memref_slice %arg4[%mul3A_98, %dma_start3A_101] : memref<16384x256xf32, #tpu.memory_space<hbm>> -> memref<64x128xf32, #tpu.memory_space<hbm>>
    tpu.enqueue_dma source(%arg7 : memref<64x128xf32, #tpu.memory_space<vmem>>) target(%dma_start3A_102 : memref<64x128xf32, #tpu.memory_space<hbm>>) target_semaphore(%arg15 : memref<!tpu.dma_semaphore, #tpu.memory_space<semaphore_mem>>)
    %dma_start3A_103 = arith.constant 128 : i32
    %dma_start3A_104 = tpu.memref_slice %arg4[%mul3A_98, %dma_start3A_103] : memref<16384x256xf32, #tpu.memory_space<hbm>> -> memref<64x128xf32, #tpu.memory_space<hbm>>
    %dma_start3A_105 = arith.constant 128 : i32
    %dma_start3A_106 = tpu.memref_slice %arg4[%mul3A_98, %dma_start3A_105] : memref<16384x256xf32, #tpu.memory_space<hbm>> -> memref<64x128xf32, #tpu.memory_space<hbm>>
    tpu.enqueue_dma source(%arg9 : memref<64x128xf32, #tpu.memory_space<vmem>>) target(%dma_start3A_106 : memref<64x128xf32, #tpu.memory_space<hbm>>) target_semaphore(%arg17 : memref<!tpu.dma_semaphore, #tpu.memory_space<semaphore_mem>>)
    %dma_wait3A_107 = arith.constant 0 : i32
    %dma_wait3A_108 = tpu.memref_slice %arg4[%mul3A_98, %dma_wait3A_107] : memref<16384x256xf32, #tpu.memory_space<hbm>> -> memref<64x128xf32, #tpu.memory_space<hbm>>
    %dma_wait3A_109 = arith.constant 0 : i32
    %dma_wait3A_110 = tpu.memref_slice %arg4[%mul3A_98, %dma_wait3A_109] : memref<16384x256xf32, #tpu.memory_space<hbm>> -> memref<64x128xf32, #tpu.memory_space<hbm>>
    tpu.wait_dma2 semaphore(%arg15 : memref<!tpu.dma_semaphore, #tpu.memory_space<semaphore_mem>>) src(%arg7 : memref<64x128xf32, #tpu.memory_space<vmem>>) dst(%dma_wait3A_110 : memref<64x128xf32, #tpu.memory_space<hbm>>)
    %dma_wait3A_111 = arith.constant 128 : i32
    %dma_wait3A_112 = tpu.memref_slice %arg4[%mul3A_98, %dma_wait3A_111] : memref<16384x256xf32, #tpu.memory_space<hbm>> -> memref<64x128xf32, #tpu.memory_space<hbm>>
    %dma_wait3A_113 = arith.constant 128 : i32
    %dma_wait3A_114 = tpu.memref_slice %arg4[%mul3A_98, %dma_wait3A_113] : memref<16384x256xf32, #tpu.memory_space<hbm>> -> memref<64x128xf32, #tpu.memory_space<hbm>>
    tpu.wait_dma2 semaphore(%arg17 : memref<!tpu.dma_semaphore, #tpu.memory_space<semaphore_mem>>) src(%arg9 : memref<64x128xf32, #tpu.memory_space<vmem>>) dst(%dma_wait3A_114 : memref<64x128xf32, #tpu.memory_space<hbm>>)
    %dma_start3A_115 = arith.constant 3 : i32
    %dma_start3A_116 = arith.constant 0 : i32
    %dma_start3A_117 = tpu.memref_slice %arg5[%dma_start3A_115, %dma_start3A_116] : memref<8x128xi32, #tpu.memory_space<vmem>> -> memref<1x64xi32, #tpu.memory_space<vmem>>
    %dma_start3A_118 = tpu.memref_squeeze %dma_start3A_117 : memref<1x64xi32, #tpu.memory_space<vmem>> -> memref<64xi32, #tpu.memory_space<vmem>>
    %dma_start3A_119 = arith.constant 0 : i32
    %dma_start3A_120 = arith.constant 0 : i32
    %dma_start3A_121 = tpu.memref_slice %arg2[%dma_start3A_119, %dma_start3A_120] : memref<262144x128xf32, #tpu.memory_space<hbm>> -> memref<262144x128xf32, #tpu.memory_space<hbm>>
    tpu.enqueue_indirect_dma source(%dma_start3A_121 : memref<262144x128xf32, #tpu.memory_space<hbm>>) target(%arg7 : memref<64x128xf32, #tpu.memory_space<vmem>>) offsets(%dma_start3A_118 : memref<64xi32, #tpu.memory_space<vmem>>) semaphore(%arg11 : memref<!tpu.dma_semaphore, #tpu.memory_space<semaphore_mem>>)
    %dma_start3A_122 = arith.constant 3 : i32
    %dma_start3A_123 = arith.constant 64 : i32
    %dma_start3A_124 = tpu.memref_slice %arg5[%dma_start3A_122, %dma_start3A_123] : memref<8x128xi32, #tpu.memory_space<vmem>> -> memref<1x64xi32, #tpu.memory_space<vmem>>
    %dma_start3A_125 = tpu.memref_squeeze %dma_start3A_124 : memref<1x64xi32, #tpu.memory_space<vmem>> -> memref<64xi32, #tpu.memory_space<vmem>>
    %dma_start3A_126 = arith.constant 0 : i32
    %dma_start3A_127 = arith.constant 0 : i32
    %dma_start3A_128 = tpu.memref_slice %arg2[%dma_start3A_126, %dma_start3A_127] : memref<262144x128xf32, #tpu.memory_space<hbm>> -> memref<262144x128xf32, #tpu.memory_space<hbm>>
    tpu.enqueue_indirect_dma source(%dma_start3A_128 : memref<262144x128xf32, #tpu.memory_space<hbm>>) target(%arg9 : memref<64x128xf32, #tpu.memory_space<vmem>>) offsets(%dma_start3A_125 : memref<64xi32, #tpu.memory_space<vmem>>) semaphore(%arg13 : memref<!tpu.dma_semaphore, #tpu.memory_space<semaphore_mem>>)
    %dma_wait3A_129 = arith.constant 2 : i32
    %dma_wait3A_130 = arith.constant 0 : i32
    %dma_wait3A_131 = tpu.memref_slice %arg5[%dma_wait3A_129, %dma_wait3A_130] : memref<8x128xi32, #tpu.memory_space<vmem>> -> memref<1x64xi32, #tpu.memory_space<vmem>>
    %dma_wait3A_132 = tpu.memref_squeeze %dma_wait3A_131 : memref<1x64xi32, #tpu.memory_space<vmem>> -> memref<64xi32, #tpu.memory_space<vmem>>
    %dma_wait3A_133 = arith.constant 0 : i32
    %dma_wait3A_134 = arith.constant 0 : i32
    %dma_wait3A_135 = tpu.memref_slice %arg2[%dma_wait3A_133, %dma_wait3A_134] : memref<262144x128xf32, #tpu.memory_space<hbm>> -> memref<262144x128xf32, #tpu.memory_space<hbm>>
    tpu.wait_indirect_dma semaphore(%arg10 : memref<!tpu.dma_semaphore, #tpu.memory_space<semaphore_mem>>) src(%dma_wait3A_135 : memref<262144x128xf32, #tpu.memory_space<hbm>>) dst(%arg6 : memref<64x128xf32, #tpu.memory_space<vmem>>)
    %dma_wait3A_136 = arith.constant 2 : i32
    %dma_wait3A_137 = arith.constant 64 : i32
    %dma_wait3A_138 = tpu.memref_slice %arg5[%dma_wait3A_136, %dma_wait3A_137] : memref<8x128xi32, #tpu.memory_space<vmem>> -> memref<1x64xi32, #tpu.memory_space<vmem>>
    %dma_wait3A_139 = tpu.memref_squeeze %dma_wait3A_138 : memref<1x64xi32, #tpu.memory_space<vmem>> -> memref<64xi32, #tpu.memory_space<vmem>>
    %dma_wait3A_140 = arith.constant 0 : i32
    %dma_wait3A_141 = arith.constant 0 : i32
    %dma_wait3A_142 = tpu.memref_slice %arg2[%dma_wait3A_140, %dma_wait3A_141] : memref<262144x128xf32, #tpu.memory_space<hbm>> -> memref<262144x128xf32, #tpu.memory_space<hbm>>
    tpu.wait_indirect_dma semaphore(%arg12 : memref<!tpu.dma_semaphore, #tpu.memory_space<semaphore_mem>>) src(%dma_wait3A_142 : memref<262144x128xf32, #tpu.memory_space<hbm>>) dst(%arg8 : memref<64x128xf32, #tpu.memory_space<vmem>>)
    %mul3A_143 = arith.constant 8 : i32
    %mul3A_144 = arith.muli %add3A, %mul3A_143 : i32
    %add3A_145 = arith.constant 2 : i32
    %add3A_146 = arith.addi %mul3A_144, %add3A_145 : i32
    %mul3A_147 = arith.constant 64 : i32
    %mul3A_148 = arith.muli %add3A_146, %mul3A_147 : i32
    %dma_start3A_149 = arith.constant 0 : i32
    %dma_start3A_150 = tpu.memref_slice %arg4[%mul3A_148, %dma_start3A_149] : memref<16384x256xf32, #tpu.memory_space<hbm>> -> memref<64x128xf32, #tpu.memory_space<hbm>>
    %dma_start3A_151 = arith.constant 0 : i32
    %dma_start3A_152 = tpu.memref_slice %arg4[%mul3A_148, %dma_start3A_151] : memref<16384x256xf32, #tpu.memory_space<hbm>> -> memref<64x128xf32, #tpu.memory_space<hbm>>
    tpu.enqueue_dma source(%arg6 : memref<64x128xf32, #tpu.memory_space<vmem>>) target(%dma_start3A_152 : memref<64x128xf32, #tpu.memory_space<hbm>>) target_semaphore(%arg14 : memref<!tpu.dma_semaphore, #tpu.memory_space<semaphore_mem>>)
    %dma_start3A_153 = arith.constant 128 : i32
    %dma_start3A_154 = tpu.memref_slice %arg4[%mul3A_148, %dma_start3A_153] : memref<16384x256xf32, #tpu.memory_space<hbm>> -> memref<64x128xf32, #tpu.memory_space<hbm>>
    %dma_start3A_155 = arith.constant 128 : i32
    %dma_start3A_156 = tpu.memref_slice %arg4[%mul3A_148, %dma_start3A_155] : memref<16384x256xf32, #tpu.memory_space<hbm>> -> memref<64x128xf32, #tpu.memory_space<hbm>>
    tpu.enqueue_dma source(%arg8 : memref<64x128xf32, #tpu.memory_space<vmem>>) target(%dma_start3A_156 : memref<64x128xf32, #tpu.memory_space<hbm>>) target_semaphore(%arg16 : memref<!tpu.dma_semaphore, #tpu.memory_space<semaphore_mem>>)
    %dma_wait3A_157 = arith.constant 0 : i32
    %dma_wait3A_158 = tpu.memref_slice %arg4[%mul3A_148, %dma_wait3A_157] : memref<16384x256xf32, #tpu.memory_space<hbm>> -> memref<64x128xf32, #tpu.memory_space<hbm>>
    %dma_wait3A_159 = arith.constant 0 : i32
    %dma_wait3A_160 = tpu.memref_slice %arg4[%mul3A_148, %dma_wait3A_159] : memref<16384x256xf32, #tpu.memory_space<hbm>> -> memref<64x128xf32, #tpu.memory_space<hbm>>
    tpu.wait_dma2 semaphore(%arg14 : memref<!tpu.dma_semaphore, #tpu.memory_space<semaphore_mem>>) src(%arg6 : memref<64x128xf32, #tpu.memory_space<vmem>>) dst(%dma_wait3A_160 : memref<64x128xf32, #tpu.memory_space<hbm>>)
    %dma_wait3A_161 = arith.constant 128 : i32
    %dma_wait3A_162 = tpu.memref_slice %arg4[%mul3A_148, %dma_wait3A_161] : memref<16384x256xf32, #tpu.memory_space<hbm>> -> memref<64x128xf32, #tpu.memory_space<hbm>>
    %dma_wait3A_163 = arith.constant 128 : i32
    %dma_wait3A_164 = tpu.memref_slice %arg4[%mul3A_148, %dma_wait3A_163] : memref<16384x256xf32, #tpu.memory_space<hbm>> -> memref<64x128xf32, #tpu.memory_space<hbm>>
    tpu.wait_dma2 semaphore(%arg16 : memref<!tpu.dma_semaphore, #tpu.memory_space<semaphore_mem>>) src(%arg8 : memref<64x128xf32, #tpu.memory_space<vmem>>) dst(%dma_wait3A_164 : memref<64x128xf32, #tpu.memory_space<hbm>>)
    %dma_start3A_165 = arith.constant 4 : i32
    %dma_start3A_166 = arith.constant 0 : i32
    %dma_start3A_167 = tpu.memref_slice %arg5[%dma_start3A_165, %dma_start3A_166] : memref<8x128xi32, #tpu.memory_space<vmem>> -> memref<1x64xi32, #tpu.memory_space<vmem>>
    %dma_start3A_168 = tpu.memref_squeeze %dma_start3A_167 : memref<1x64xi32, #tpu.memory_space<vmem>> -> memref<64xi32, #tpu.memory_space<vmem>>
    %dma_start3A_169 = arith.constant 0 : i32
    %dma_start3A_170 = arith.constant 0 : i32
    %dma_start3A_171 = tpu.memref_slice %arg2[%dma_start3A_169, %dma_start3A_170] : memref<262144x128xf32, #tpu.memory_space<hbm>> -> memref<262144x128xf32, #tpu.memory_space<hbm>>
    tpu.enqueue_indirect_dma source(%dma_start3A_171 : memref<262144x128xf32, #tpu.memory_space<hbm>>) target(%arg6 : memref<64x128xf32, #tpu.memory_space<vmem>>) offsets(%dma_start3A_168 : memref<64xi32, #tpu.memory_space<vmem>>) semaphore(%arg10 : memref<!tpu.dma_semaphore, #tpu.memory_space<semaphore_mem>>)
    %dma_start3A_172 = arith.constant 4 : i32
    %dma_start3A_173 = arith.constant 64 : i32
    %dma_start3A_174 = tpu.memref_slice %arg5[%dma_start3A_172, %dma_start3A_173] : memref<8x128xi32, #tpu.memory_space<vmem>> -> memref<1x64xi32, #tpu.memory_space<vmem>>
    %dma_start3A_175 = tpu.memref_squeeze %dma_start3A_174 : memref<1x64xi32, #tpu.memory_space<vmem>> -> memref<64xi32, #tpu.memory_space<vmem>>
    %dma_start3A_176 = arith.constant 0 : i32
    %dma_start3A_177 = arith.constant 0 : i32
    %dma_start3A_178 = tpu.memref_slice %arg2[%dma_start3A_176, %dma_start3A_177] : memref<262144x128xf32, #tpu.memory_space<hbm>> -> memref<262144x128xf32, #tpu.memory_space<hbm>>
    tpu.enqueue_indirect_dma source(%dma_start3A_178 : memref<262144x128xf32, #tpu.memory_space<hbm>>) target(%arg8 : memref<64x128xf32, #tpu.memory_space<vmem>>) offsets(%dma_start3A_175 : memref<64xi32, #tpu.memory_space<vmem>>) semaphore(%arg12 : memref<!tpu.dma_semaphore, #tpu.memory_space<semaphore_mem>>)
    %dma_wait3A_179 = arith.constant 3 : i32
    %dma_wait3A_180 = arith.constant 0 : i32
    %dma_wait3A_181 = tpu.memref_slice %arg5[%dma_wait3A_179, %dma_wait3A_180] : memref<8x128xi32, #tpu.memory_space<vmem>> -> memref<1x64xi32, #tpu.memory_space<vmem>>
    %dma_wait3A_182 = tpu.memref_squeeze %dma_wait3A_181 : memref<1x64xi32, #tpu.memory_space<vmem>> -> memref<64xi32, #tpu.memory_space<vmem>>
    %dma_wait3A_183 = arith.constant 0 : i32
    %dma_wait3A_184 = arith.constant 0 : i32
    %dma_wait3A_185 = tpu.memref_slice %arg2[%dma_wait3A_183, %dma_wait3A_184] : memref<262144x128xf32, #tpu.memory_space<hbm>> -> memref<262144x128xf32, #tpu.memory_space<hbm>>
    tpu.wait_indirect_dma semaphore(%arg11 : memref<!tpu.dma_semaphore, #tpu.memory_space<semaphore_mem>>) src(%dma_wait3A_185 : memref<262144x128xf32, #tpu.memory_space<hbm>>) dst(%arg7 : memref<64x128xf32, #tpu.memory_space<vmem>>)
    %dma_wait3A_186 = arith.constant 3 : i32
    %dma_wait3A_187 = arith.constant 64 : i32
    %dma_wait3A_188 = tpu.memref_slice %arg5[%dma_wait3A_186, %dma_wait3A_187] : memref<8x128xi32, #tpu.memory_space<vmem>> -> memref<1x64xi32, #tpu.memory_space<vmem>>
    %dma_wait3A_189 = tpu.memref_squeeze %dma_wait3A_188 : memref<1x64xi32, #tpu.memory_space<vmem>> -> memref<64xi32, #tpu.memory_space<vmem>>
    %dma_wait3A_190 = arith.constant 0 : i32
    %dma_wait3A_191 = arith.constant 0 : i32
    %dma_wait3A_192 = tpu.memref_slice %arg2[%dma_wait3A_190, %dma_wait3A_191] : memref<262144x128xf32, #tpu.memory_space<hbm>> -> memref<262144x128xf32, #tpu.memory_space<hbm>>
    tpu.wait_indirect_dma semaphore(%arg13 : memref<!tpu.dma_semaphore, #tpu.memory_space<semaphore_mem>>) src(%dma_wait3A_192 : memref<262144x128xf32, #tpu.memory_space<hbm>>) dst(%arg9 : memref<64x128xf32, #tpu.memory_space<vmem>>)
    %mul3A_193 = arith.constant 8 : i32
    %mul3A_194 = arith.muli %add3A, %mul3A_193 : i32
    %add3A_195 = arith.constant 3 : i32
    %add3A_196 = arith.addi %mul3A_194, %add3A_195 : i32
    %mul3A_197 = arith.constant 64 : i32
    %mul3A_198 = arith.muli %add3A_196, %mul3A_197 : i32
    %dma_start3A_199 = arith.constant 0 : i32
    %dma_start3A_200 = tpu.memref_slice %arg4[%mul3A_198, %dma_start3A_199] : memref<16384x256xf32, #tpu.memory_space<hbm>> -> memref<64x128xf32, #tpu.memory_space<hbm>>
    %dma_start3A_201 = arith.constant 0 : i32
    %dma_start3A_202 = tpu.memref_slice %arg4[%mul3A_198, %dma_start3A_201] : memref<16384x256xf32, #tpu.memory_space<hbm>> -> memref<64x128xf32, #tpu.memory_space<hbm>>
    tpu.enqueue_dma source(%arg7 : memref<64x128xf32, #tpu.memory_space<vmem>>) target(%dma_start3A_202 : memref<64x128xf32, #tpu.memory_space<hbm>>) target_semaphore(%arg15 : memref<!tpu.dma_semaphore, #tpu.memory_space<semaphore_mem>>)
    %dma_start3A_203 = arith.constant 128 : i32
    %dma_start3A_204 = tpu.memref_slice %arg4[%mul3A_198, %dma_start3A_203] : memref<16384x256xf32, #tpu.memory_space<hbm>> -> memref<64x128xf32, #tpu.memory_space<hbm>>
    %dma_start3A_205 = arith.constant 128 : i32
    %dma_start3A_206 = tpu.memref_slice %arg4[%mul3A_198, %dma_start3A_205] : memref<16384x256xf32, #tpu.memory_space<hbm>> -> memref<64x128xf32, #tpu.memory_space<hbm>>
    tpu.enqueue_dma source(%arg9 : memref<64x128xf32, #tpu.memory_space<vmem>>) target(%dma_start3A_206 : memref<64x128xf32, #tpu.memory_space<hbm>>) target_semaphore(%arg17 : memref<!tpu.dma_semaphore, #tpu.memory_space<semaphore_mem>>)
    %dma_wait3A_207 = arith.constant 0 : i32
    %dma_wait3A_208 = tpu.memref_slice %arg4[%mul3A_198, %dma_wait3A_207] : memref<16384x256xf32, #tpu.memory_space<hbm>> -> memref<64x128xf32, #tpu.memory_space<hbm>>
    %dma_wait3A_209 = arith.constant 0 : i32
    %dma_wait3A_210 = tpu.memref_slice %arg4[%mul3A_198, %dma_wait3A_209] : memref<16384x256xf32, #tpu.memory_space<hbm>> -> memref<64x128xf32, #tpu.memory_space<hbm>>
    tpu.wait_dma2 semaphore(%arg15 : memref<!tpu.dma_semaphore, #tpu.memory_space<semaphore_mem>>) src(%arg7 : memref<64x128xf32, #tpu.memory_space<vmem>>) dst(%dma_wait3A_210 : memref<64x128xf32, #tpu.memory_space<hbm>>)
    %dma_wait3A_211 = arith.constant 128 : i32
    %dma_wait3A_212 = tpu.memref_slice %arg4[%mul3A_198, %dma_wait3A_211] : memref<16384x256xf32, #tpu.memory_space<hbm>> -> memref<64x128xf32, #tpu.memory_space<hbm>>
    %dma_wait3A_213 = arith.constant 128 : i32
    %dma_wait3A_214 = tpu.memref_slice %arg4[%mul3A_198, %dma_wait3A_213] : memref<16384x256xf32, #tpu.memory_space<hbm>> -> memref<64x128xf32, #tpu.memory_space<hbm>>
    tpu.wait_dma2 semaphore(%arg17 : memref<!tpu.dma_semaphore, #tpu.memory_space<semaphore_mem>>) src(%arg9 : memref<64x128xf32, #tpu.memory_space<vmem>>) dst(%dma_wait3A_214 : memref<64x128xf32, #tpu.memory_space<hbm>>)
    %dma_start3A_215 = arith.constant 5 : i32
    %dma_start3A_216 = arith.constant 0 : i32
    %dma_start3A_217 = tpu.memref_slice %arg5[%dma_start3A_215, %dma_start3A_216] : memref<8x128xi32, #tpu.memory_space<vmem>> -> memref<1x64xi32, #tpu.memory_space<vmem>>
    %dma_start3A_218 = tpu.memref_squeeze %dma_start3A_217 : memref<1x64xi32, #tpu.memory_space<vmem>> -> memref<64xi32, #tpu.memory_space<vmem>>
    %dma_start3A_219 = arith.constant 0 : i32
    %dma_start3A_220 = arith.constant 0 : i32
    %dma_start3A_221 = tpu.memref_slice %arg2[%dma_start3A_219, %dma_start3A_220] : memref<262144x128xf32, #tpu.memory_space<hbm>> -> memref<262144x128xf32, #tpu.memory_space<hbm>>
    tpu.enqueue_indirect_dma source(%dma_start3A_221 : memref<262144x128xf32, #tpu.memory_space<hbm>>) target(%arg7 : memref<64x128xf32, #tpu.memory_space<vmem>>) offsets(%dma_start3A_218 : memref<64xi32, #tpu.memory_space<vmem>>) semaphore(%arg11 : memref<!tpu.dma_semaphore, #tpu.memory_space<semaphore_mem>>)
    %dma_start3A_222 = arith.constant 5 : i32
    %dma_start3A_223 = arith.constant 64 : i32
    %dma_start3A_224 = tpu.memref_slice %arg5[%dma_start3A_222, %dma_start3A_223] : memref<8x128xi32, #tpu.memory_space<vmem>> -> memref<1x64xi32, #tpu.memory_space<vmem>>
    %dma_start3A_225 = tpu.memref_squeeze %dma_start3A_224 : memref<1x64xi32, #tpu.memory_space<vmem>> -> memref<64xi32, #tpu.memory_space<vmem>>
    %dma_start3A_226 = arith.constant 0 : i32
    %dma_start3A_227 = arith.constant 0 : i32
    %dma_start3A_228 = tpu.memref_slice %arg2[%dma_start3A_226, %dma_start3A_227] : memref<262144x128xf32, #tpu.memory_space<hbm>> -> memref<262144x128xf32, #tpu.memory_space<hbm>>
    tpu.enqueue_indirect_dma source(%dma_start3A_228 : memref<262144x128xf32, #tpu.memory_space<hbm>>) target(%arg9 : memref<64x128xf32, #tpu.memory_space<vmem>>) offsets(%dma_start3A_225 : memref<64xi32, #tpu.memory_space<vmem>>) semaphore(%arg13 : memref<!tpu.dma_semaphore, #tpu.memory_space<semaphore_mem>>)
    %dma_wait3A_229 = arith.constant 4 : i32
    %dma_wait3A_230 = arith.constant 0 : i32
    %dma_wait3A_231 = tpu.memref_slice %arg5[%dma_wait3A_229, %dma_wait3A_230] : memref<8x128xi32, #tpu.memory_space<vmem>> -> memref<1x64xi32, #tpu.memory_space<vmem>>
    %dma_wait3A_232 = tpu.memref_squeeze %dma_wait3A_231 : memref<1x64xi32, #tpu.memory_space<vmem>> -> memref<64xi32, #tpu.memory_space<vmem>>
    %dma_wait3A_233 = arith.constant 0 : i32
    %dma_wait3A_234 = arith.constant 0 : i32
    %dma_wait3A_235 = tpu.memref_slice %arg2[%dma_wait3A_233, %dma_wait3A_234] : memref<262144x128xf32, #tpu.memory_space<hbm>> -> memref<262144x128xf32, #tpu.memory_space<hbm>>
    tpu.wait_indirect_dma semaphore(%arg10 : memref<!tpu.dma_semaphore, #tpu.memory_space<semaphore_mem>>) src(%dma_wait3A_235 : memref<262144x128xf32, #tpu.memory_space<hbm>>) dst(%arg6 : memref<64x128xf32, #tpu.memory_space<vmem>>)
    %dma_wait3A_236 = arith.constant 4 : i32
    %dma_wait3A_237 = arith.constant 64 : i32
    %dma_wait3A_238 = tpu.memref_slice %arg5[%dma_wait3A_236, %dma_wait3A_237] : memref<8x128xi32, #tpu.memory_space<vmem>> -> memref<1x64xi32, #tpu.memory_space<vmem>>
    %dma_wait3A_239 = tpu.memref_squeeze %dma_wait3A_238 : memref<1x64xi32, #tpu.memory_space<vmem>> -> memref<64xi32, #tpu.memory_space<vmem>>
    %dma_wait3A_240 = arith.constant 0 : i32
    %dma_wait3A_241 = arith.constant 0 : i32
    %dma_wait3A_242 = tpu.memref_slice %arg2[%dma_wait3A_240, %dma_wait3A_241] : memref<262144x128xf32, #tpu.memory_space<hbm>> -> memref<262144x128xf32, #tpu.memory_space<hbm>>
    tpu.wait_indirect_dma semaphore(%arg12 : memref<!tpu.dma_semaphore, #tpu.memory_space<semaphore_mem>>) src(%dma_wait3A_242 : memref<262144x128xf32, #tpu.memory_space<hbm>>) dst(%arg8 : memref<64x128xf32, #tpu.memory_space<vmem>>)
    %mul3A_243 = arith.constant 8 : i32
    %mul3A_244 = arith.muli %add3A, %mul3A_243 : i32
    %add3A_245 = arith.constant 4 : i32
    %add3A_246 = arith.addi %mul3A_244, %add3A_245 : i32
    %mul3A_247 = arith.constant 64 : i32
    %mul3A_248 = arith.muli %add3A_246, %mul3A_247 : i32
    %dma_start3A_249 = arith.constant 0 : i32
    %dma_start3A_250 = tpu.memref_slice %arg4[%mul3A_248, %dma_start3A_249] : memref<16384x256xf32, #tpu.memory_space<hbm>> -> memref<64x128xf32, #tpu.memory_space<hbm>>
    %dma_start3A_251 = arith.constant 0 : i32
    %dma_start3A_252 = tpu.memref_slice %arg4[%mul3A_248, %dma_start3A_251] : memref<16384x256xf32, #tpu.memory_space<hbm>> -> memref<64x128xf32, #tpu.memory_space<hbm>>
    tpu.enqueue_dma source(%arg6 : memref<64x128xf32, #tpu.memory_space<vmem>>) target(%dma_start3A_252 : memref<64x128xf32, #tpu.memory_space<hbm>>) target_semaphore(%arg14 : memref<!tpu.dma_semaphore, #tpu.memory_space<semaphore_mem>>)
    %dma_start3A_253 = arith.constant 128 : i32
    %dma_start3A_254 = tpu.memref_slice %arg4[%mul3A_248, %dma_start3A_253] : memref<16384x256xf32, #tpu.memory_space<hbm>> -> memref<64x128xf32, #tpu.memory_space<hbm>>
    %dma_start3A_255 = arith.constant 128 : i32
    %dma_start3A_256 = tpu.memref_slice %arg4[%mul3A_248, %dma_start3A_255] : memref<16384x256xf32, #tpu.memory_space<hbm>> -> memref<64x128xf32, #tpu.memory_space<hbm>>
    tpu.enqueue_dma source(%arg8 : memref<64x128xf32, #tpu.memory_space<vmem>>) target(%dma_start3A_256 : memref<64x128xf32, #tpu.memory_space<hbm>>) target_semaphore(%arg16 : memref<!tpu.dma_semaphore, #tpu.memory_space<semaphore_mem>>)
    %dma_wait3A_257 = arith.constant 0 : i32
    %dma_wait3A_258 = tpu.memref_slice %arg4[%mul3A_248, %dma_wait3A_257] : memref<16384x256xf32, #tpu.memory_space<hbm>> -> memref<64x128xf32, #tpu.memory_space<hbm>>
    %dma_wait3A_259 = arith.constant 0 : i32
    %dma_wait3A_260 = tpu.memref_slice %arg4[%mul3A_248, %dma_wait3A_259] : memref<16384x256xf32, #tpu.memory_space<hbm>> -> memref<64x128xf32, #tpu.memory_space<hbm>>
    tpu.wait_dma2 semaphore(%arg14 : memref<!tpu.dma_semaphore, #tpu.memory_space<semaphore_mem>>) src(%arg6 : memref<64x128xf32, #tpu.memory_space<vmem>>) dst(%dma_wait3A_260 : memref<64x128xf32, #tpu.memory_space<hbm>>)
    %dma_wait3A_261 = arith.constant 128 : i32
    %dma_wait3A_262 = tpu.memref_slice %arg4[%mul3A_248, %dma_wait3A_261] : memref<16384x256xf32, #tpu.memory_space<hbm>> -> memref<64x128xf32, #tpu.memory_space<hbm>>
    %dma_wait3A_263 = arith.constant 128 : i32
    %dma_wait3A_264 = tpu.memref_slice %arg4[%mul3A_248, %dma_wait3A_263] : memref<16384x256xf32, #tpu.memory_space<hbm>> -> memref<64x128xf32, #tpu.memory_space<hbm>>
    tpu.wait_dma2 semaphore(%arg16 : memref<!tpu.dma_semaphore, #tpu.memory_space<semaphore_mem>>) src(%arg8 : memref<64x128xf32, #tpu.memory_space<vmem>>) dst(%dma_wait3A_264 : memref<64x128xf32, #tpu.memory_space<hbm>>)
    %dma_start3A_265 = arith.constant 6 : i32
    %dma_start3A_266 = arith.constant 0 : i32
    %dma_start3A_267 = tpu.memref_slice %arg5[%dma_start3A_265, %dma_start3A_266] : memref<8x128xi32, #tpu.memory_space<vmem>> -> memref<1x64xi32, #tpu.memory_space<vmem>>
    %dma_start3A_268 = tpu.memref_squeeze %dma_start3A_267 : memref<1x64xi32, #tpu.memory_space<vmem>> -> memref<64xi32, #tpu.memory_space<vmem>>
    %dma_start3A_269 = arith.constant 0 : i32
    %dma_start3A_270 = arith.constant 0 : i32
    %dma_start3A_271 = tpu.memref_slice %arg2[%dma_start3A_269, %dma_start3A_270] : memref<262144x128xf32, #tpu.memory_space<hbm>> -> memref<262144x128xf32, #tpu.memory_space<hbm>>
    tpu.enqueue_indirect_dma source(%dma_start3A_271 : memref<262144x128xf32, #tpu.memory_space<hbm>>) target(%arg6 : memref<64x128xf32, #tpu.memory_space<vmem>>) offsets(%dma_start3A_268 : memref<64xi32, #tpu.memory_space<vmem>>) semaphore(%arg10 : memref<!tpu.dma_semaphore, #tpu.memory_space<semaphore_mem>>)
    %dma_start3A_272 = arith.constant 6 : i32
    %dma_start3A_273 = arith.constant 64 : i32
    %dma_start3A_274 = tpu.memref_slice %arg5[%dma_start3A_272, %dma_start3A_273] : memref<8x128xi32, #tpu.memory_space<vmem>> -> memref<1x64xi32, #tpu.memory_space<vmem>>
    %dma_start3A_275 = tpu.memref_squeeze %dma_start3A_274 : memref<1x64xi32, #tpu.memory_space<vmem>> -> memref<64xi32, #tpu.memory_space<vmem>>
    %dma_start3A_276 = arith.constant 0 : i32
    %dma_start3A_277 = arith.constant 0 : i32
    %dma_start3A_278 = tpu.memref_slice %arg2[%dma_start3A_276, %dma_start3A_277] : memref<262144x128xf32, #tpu.memory_space<hbm>> -> memref<262144x128xf32, #tpu.memory_space<hbm>>
    tpu.enqueue_indirect_dma source(%dma_start3A_278 : memref<262144x128xf32, #tpu.memory_space<hbm>>) target(%arg8 : memref<64x128xf32, #tpu.memory_space<vmem>>) offsets(%dma_start3A_275 : memref<64xi32, #tpu.memory_space<vmem>>) semaphore(%arg12 : memref<!tpu.dma_semaphore, #tpu.memory_space<semaphore_mem>>)
    %dma_wait3A_279 = arith.constant 5 : i32
    %dma_wait3A_280 = arith.constant 0 : i32
    %dma_wait3A_281 = tpu.memref_slice %arg5[%dma_wait3A_279, %dma_wait3A_280] : memref<8x128xi32, #tpu.memory_space<vmem>> -> memref<1x64xi32, #tpu.memory_space<vmem>>
    %dma_wait3A_282 = tpu.memref_squeeze %dma_wait3A_281 : memref<1x64xi32, #tpu.memory_space<vmem>> -> memref<64xi32, #tpu.memory_space<vmem>>
    %dma_wait3A_283 = arith.constant 0 : i32
    %dma_wait3A_284 = arith.constant 0 : i32
    %dma_wait3A_285 = tpu.memref_slice %arg2[%dma_wait3A_283, %dma_wait3A_284] : memref<262144x128xf32, #tpu.memory_space<hbm>> -> memref<262144x128xf32, #tpu.memory_space<hbm>>
    tpu.wait_indirect_dma semaphore(%arg11 : memref<!tpu.dma_semaphore, #tpu.memory_space<semaphore_mem>>) src(%dma_wait3A_285 : memref<262144x128xf32, #tpu.memory_space<hbm>>) dst(%arg7 : memref<64x128xf32, #tpu.memory_space<vmem>>)
    %dma_wait3A_286 = arith.constant 5 : i32
    %dma_wait3A_287 = arith.constant 64 : i32
    %dma_wait3A_288 = tpu.memref_slice %arg5[%dma_wait3A_286, %dma_wait3A_287] : memref<8x128xi32, #tpu.memory_space<vmem>> -> memref<1x64xi32, #tpu.memory_space<vmem>>
    %dma_wait3A_289 = tpu.memref_squeeze %dma_wait3A_288 : memref<1x64xi32, #tpu.memory_space<vmem>> -> memref<64xi32, #tpu.memory_space<vmem>>
    %dma_wait3A_290 = arith.constant 0 : i32
    %dma_wait3A_291 = arith.constant 0 : i32
    %dma_wait3A_292 = tpu.memref_slice %arg2[%dma_wait3A_290, %dma_wait3A_291] : memref<262144x128xf32, #tpu.memory_space<hbm>> -> memref<262144x128xf32, #tpu.memory_space<hbm>>
    tpu.wait_indirect_dma semaphore(%arg13 : memref<!tpu.dma_semaphore, #tpu.memory_space<semaphore_mem>>) src(%dma_wait3A_292 : memref<262144x128xf32, #tpu.memory_space<hbm>>) dst(%arg9 : memref<64x128xf32, #tpu.memory_space<vmem>>)
    %mul3A_293 = arith.constant 8 : i32
    %mul3A_294 = arith.muli %add3A, %mul3A_293 : i32
    %add3A_295 = arith.constant 5 : i32
    %add3A_296 = arith.addi %mul3A_294, %add3A_295 : i32
    %mul3A_297 = arith.constant 64 : i32
    %mul3A_298 = arith.muli %add3A_296, %mul3A_297 : i32
    %dma_start3A_299 = arith.constant 0 : i32
    %dma_start3A_300 = tpu.memref_slice %arg4[%mul3A_298, %dma_start3A_299] : memref<16384x256xf32, #tpu.memory_space<hbm>> -> memref<64x128xf32, #tpu.memory_space<hbm>>
    %dma_start3A_301 = arith.constant 0 : i32
    %dma_start3A_302 = tpu.memref_slice %arg4[%mul3A_298, %dma_start3A_301] : memref<16384x256xf32, #tpu.memory_space<hbm>> -> memref<64x128xf32, #tpu.memory_space<hbm>>
    tpu.enqueue_dma source(%arg7 : memref<64x128xf32, #tpu.memory_space<vmem>>) target(%dma_start3A_302 : memref<64x128xf32, #tpu.memory_space<hbm>>) target_semaphore(%arg15 : memref<!tpu.dma_semaphore, #tpu.memory_space<semaphore_mem>>)
    %dma_start3A_303 = arith.constant 128 : i32
    %dma_start3A_304 = tpu.memref_slice %arg4[%mul3A_298, %dma_start3A_303] : memref<16384x256xf32, #tpu.memory_space<hbm>> -> memref<64x128xf32, #tpu.memory_space<hbm>>
    %dma_start3A_305 = arith.constant 128 : i32
    %dma_start3A_306 = tpu.memref_slice %arg4[%mul3A_298, %dma_start3A_305] : memref<16384x256xf32, #tpu.memory_space<hbm>> -> memref<64x128xf32, #tpu.memory_space<hbm>>
    tpu.enqueue_dma source(%arg9 : memref<64x128xf32, #tpu.memory_space<vmem>>) target(%dma_start3A_306 : memref<64x128xf32, #tpu.memory_space<hbm>>) target_semaphore(%arg17 : memref<!tpu.dma_semaphore, #tpu.memory_space<semaphore_mem>>)
    %dma_wait3A_307 = arith.constant 0 : i32
    %dma_wait3A_308 = tpu.memref_slice %arg4[%mul3A_298, %dma_wait3A_307] : memref<16384x256xf32, #tpu.memory_space<hbm>> -> memref<64x128xf32, #tpu.memory_space<hbm>>
    %dma_wait3A_309 = arith.constant 0 : i32
    %dma_wait3A_310 = tpu.memref_slice %arg4[%mul3A_298, %dma_wait3A_309] : memref<16384x256xf32, #tpu.memory_space<hbm>> -> memref<64x128xf32, #tpu.memory_space<hbm>>
    tpu.wait_dma2 semaphore(%arg15 : memref<!tpu.dma_semaphore, #tpu.memory_space<semaphore_mem>>) src(%arg7 : memref<64x128xf32, #tpu.memory_space<vmem>>) dst(%dma_wait3A_310 : memref<64x128xf32, #tpu.memory_space<hbm>>)
    %dma_wait3A_311 = arith.constant 128 : i32
    %dma_wait3A_312 = tpu.memref_slice %arg4[%mul3A_298, %dma_wait3A_311] : memref<16384x256xf32, #tpu.memory_space<hbm>> -> memref<64x128xf32, #tpu.memory_space<hbm>>
    %dma_wait3A_313 = arith.constant 128 : i32
    %dma_wait3A_314 = tpu.memref_slice %arg4[%mul3A_298, %dma_wait3A_313] : memref<16384x256xf32, #tpu.memory_space<hbm>> -> memref<64x128xf32, #tpu.memory_space<hbm>>
    tpu.wait_dma2 semaphore(%arg17 : memref<!tpu.dma_semaphore, #tpu.memory_space<semaphore_mem>>) src(%arg9 : memref<64x128xf32, #tpu.memory_space<vmem>>) dst(%dma_wait3A_314 : memref<64x128xf32, #tpu.memory_space<hbm>>)
    %dma_start3A_315 = arith.constant 7 : i32
    %dma_start3A_316 = arith.constant 0 : i32
    %dma_start3A_317 = tpu.memref_slice %arg5[%dma_start3A_315, %dma_start3A_316] : memref<8x128xi32, #tpu.memory_space<vmem>> -> memref<1x64xi32, #tpu.memory_space<vmem>>
    %dma_start3A_318 = tpu.memref_squeeze %dma_start3A_317 : memref<1x64xi32, #tpu.memory_space<vmem>> -> memref<64xi32, #tpu.memory_space<vmem>>
    %dma_start3A_319 = arith.constant 0 : i32
    %dma_start3A_320 = arith.constant 0 : i32
    %dma_start3A_321 = tpu.memref_slice %arg2[%dma_start3A_319, %dma_start3A_320] : memref<262144x128xf32, #tpu.memory_space<hbm>> -> memref<262144x128xf32, #tpu.memory_space<hbm>>
    tpu.enqueue_indirect_dma source(%dma_start3A_321 : memref<262144x128xf32, #tpu.memory_space<hbm>>) target(%arg7 : memref<64x128xf32, #tpu.memory_space<vmem>>) offsets(%dma_start3A_318 : memref<64xi32, #tpu.memory_space<vmem>>) semaphore(%arg11 : memref<!tpu.dma_semaphore, #tpu.memory_space<semaphore_mem>>)
    %dma_start3A_322 = arith.constant 7 : i32
    %dma_start3A_323 = arith.constant 64 : i32
    %dma_start3A_324 = tpu.memref_slice %arg5[%dma_start3A_322, %dma_start3A_323] : memref<8x128xi32, #tpu.memory_space<vmem>> -> memref<1x64xi32, #tpu.memory_space<vmem>>
    %dma_start3A_325 = tpu.memref_squeeze %dma_start3A_324 : memref<1x64xi32, #tpu.memory_space<vmem>> -> memref<64xi32, #tpu.memory_space<vmem>>
    %dma_start3A_326 = arith.constant 0 : i32
    %dma_start3A_327 = arith.constant 0 : i32
    %dma_start3A_328 = tpu.memref_slice %arg2[%dma_start3A_326, %dma_start3A_327] : memref<262144x128xf32, #tpu.memory_space<hbm>> -> memref<262144x128xf32, #tpu.memory_space<hbm>>
    tpu.enqueue_indirect_dma source(%dma_start3A_328 : memref<262144x128xf32, #tpu.memory_space<hbm>>) target(%arg9 : memref<64x128xf32, #tpu.memory_space<vmem>>) offsets(%dma_start3A_325 : memref<64xi32, #tpu.memory_space<vmem>>) semaphore(%arg13 : memref<!tpu.dma_semaphore, #tpu.memory_space<semaphore_mem>>)
    %dma_wait3A_329 = arith.constant 6 : i32
    %dma_wait3A_330 = arith.constant 0 : i32
    %dma_wait3A_331 = tpu.memref_slice %arg5[%dma_wait3A_329, %dma_wait3A_330] : memref<8x128xi32, #tpu.memory_space<vmem>> -> memref<1x64xi32, #tpu.memory_space<vmem>>
    %dma_wait3A_332 = tpu.memref_squeeze %dma_wait3A_331 : memref<1x64xi32, #tpu.memory_space<vmem>> -> memref<64xi32, #tpu.memory_space<vmem>>
    %dma_wait3A_333 = arith.constant 0 : i32
    %dma_wait3A_334 = arith.constant 0 : i32
    %dma_wait3A_335 = tpu.memref_slice %arg2[%dma_wait3A_333, %dma_wait3A_334] : memref<262144x128xf32, #tpu.memory_space<hbm>> -> memref<262144x128xf32, #tpu.memory_space<hbm>>
    tpu.wait_indirect_dma semaphore(%arg10 : memref<!tpu.dma_semaphore, #tpu.memory_space<semaphore_mem>>) src(%dma_wait3A_335 : memref<262144x128xf32, #tpu.memory_space<hbm>>) dst(%arg6 : memref<64x128xf32, #tpu.memory_space<vmem>>)
    %dma_wait3A_336 = arith.constant 6 : i32
    %dma_wait3A_337 = arith.constant 64 : i32
    %dma_wait3A_338 = tpu.memref_slice %arg5[%dma_wait3A_336, %dma_wait3A_337] : memref<8x128xi32, #tpu.memory_space<vmem>> -> memref<1x64xi32, #tpu.memory_space<vmem>>
    %dma_wait3A_339 = tpu.memref_squeeze %dma_wait3A_338 : memref<1x64xi32, #tpu.memory_space<vmem>> -> memref<64xi32, #tpu.memory_space<vmem>>
    %dma_wait3A_340 = arith.constant 0 : i32
    %dma_wait3A_341 = arith.constant 0 : i32
    %dma_wait3A_342 = tpu.memref_slice %arg2[%dma_wait3A_340, %dma_wait3A_341] : memref<262144x128xf32, #tpu.memory_space<hbm>> -> memref<262144x128xf32, #tpu.memory_space<hbm>>
    tpu.wait_indirect_dma semaphore(%arg12 : memref<!tpu.dma_semaphore, #tpu.memory_space<semaphore_mem>>) src(%dma_wait3A_342 : memref<262144x128xf32, #tpu.memory_space<hbm>>) dst(%arg8 : memref<64x128xf32, #tpu.memory_space<vmem>>)
    %mul3A_343 = arith.constant 8 : i32
    %mul3A_344 = arith.muli %add3A, %mul3A_343 : i32
    %add3A_345 = arith.constant 6 : i32
    %add3A_346 = arith.addi %mul3A_344, %add3A_345 : i32
    %mul3A_347 = arith.constant 64 : i32
    %mul3A_348 = arith.muli %add3A_346, %mul3A_347 : i32
    %dma_start3A_349 = arith.constant 0 : i32
    %dma_start3A_350 = tpu.memref_slice %arg4[%mul3A_348, %dma_start3A_349] : memref<16384x256xf32, #tpu.memory_space<hbm>> -> memref<64x128xf32, #tpu.memory_space<hbm>>
    %dma_start3A_351 = arith.constant 0 : i32
    %dma_start3A_352 = tpu.memref_slice %arg4[%mul3A_348, %dma_start3A_351] : memref<16384x256xf32, #tpu.memory_space<hbm>> -> memref<64x128xf32, #tpu.memory_space<hbm>>
    tpu.enqueue_dma source(%arg6 : memref<64x128xf32, #tpu.memory_space<vmem>>) target(%dma_start3A_352 : memref<64x128xf32, #tpu.memory_space<hbm>>) target_semaphore(%arg14 : memref<!tpu.dma_semaphore, #tpu.memory_space<semaphore_mem>>)
    %dma_start3A_353 = arith.constant 128 : i32
    %dma_start3A_354 = tpu.memref_slice %arg4[%mul3A_348, %dma_start3A_353] : memref<16384x256xf32, #tpu.memory_space<hbm>> -> memref<64x128xf32, #tpu.memory_space<hbm>>
    %dma_start3A_355 = arith.constant 128 : i32
    %dma_start3A_356 = tpu.memref_slice %arg4[%mul3A_348, %dma_start3A_355] : memref<16384x256xf32, #tpu.memory_space<hbm>> -> memref<64x128xf32, #tpu.memory_space<hbm>>
    tpu.enqueue_dma source(%arg8 : memref<64x128xf32, #tpu.memory_space<vmem>>) target(%dma_start3A_356 : memref<64x128xf32, #tpu.memory_space<hbm>>) target_semaphore(%arg16 : memref<!tpu.dma_semaphore, #tpu.memory_space<semaphore_mem>>)
    %dma_wait3A_357 = arith.constant 7 : i32
    %dma_wait3A_358 = arith.constant 0 : i32
    %dma_wait3A_359 = tpu.memref_slice %arg5[%dma_wait3A_357, %dma_wait3A_358] : memref<8x128xi32, #tpu.memory_space<vmem>> -> memref<1x64xi32, #tpu.memory_space<vmem>>
    %dma_wait3A_360 = tpu.memref_squeeze %dma_wait3A_359 : memref<1x64xi32, #tpu.memory_space<vmem>> -> memref<64xi32, #tpu.memory_space<vmem>>
    %dma_wait3A_361 = arith.constant 0 : i32
    %dma_wait3A_362 = arith.constant 0 : i32
    %dma_wait3A_363 = tpu.memref_slice %arg2[%dma_wait3A_361, %dma_wait3A_362] : memref<262144x128xf32, #tpu.memory_space<hbm>> -> memref<262144x128xf32, #tpu.memory_space<hbm>>
    tpu.wait_indirect_dma semaphore(%arg11 : memref<!tpu.dma_semaphore, #tpu.memory_space<semaphore_mem>>) src(%dma_wait3A_363 : memref<262144x128xf32, #tpu.memory_space<hbm>>) dst(%arg7 : memref<64x128xf32, #tpu.memory_space<vmem>>)
    %dma_wait3A_364 = arith.constant 7 : i32
    %dma_wait3A_365 = arith.constant 64 : i32
    %dma_wait3A_366 = tpu.memref_slice %arg5[%dma_wait3A_364, %dma_wait3A_365] : memref<8x128xi32, #tpu.memory_space<vmem>> -> memref<1x64xi32, #tpu.memory_space<vmem>>
    %dma_wait3A_367 = tpu.memref_squeeze %dma_wait3A_366 : memref<1x64xi32, #tpu.memory_space<vmem>> -> memref<64xi32, #tpu.memory_space<vmem>>
    %dma_wait3A_368 = arith.constant 0 : i32
    %dma_wait3A_369 = arith.constant 0 : i32
    %dma_wait3A_370 = tpu.memref_slice %arg2[%dma_wait3A_368, %dma_wait3A_369] : memref<262144x128xf32, #tpu.memory_space<hbm>> -> memref<262144x128xf32, #tpu.memory_space<hbm>>
    tpu.wait_indirect_dma semaphore(%arg13 : memref<!tpu.dma_semaphore, #tpu.memory_space<semaphore_mem>>) src(%dma_wait3A_370 : memref<262144x128xf32, #tpu.memory_space<hbm>>) dst(%arg9 : memref<64x128xf32, #tpu.memory_space<vmem>>)
    %mul3A_371 = arith.constant 8 : i32
    %mul3A_372 = arith.muli %add3A, %mul3A_371 : i32
    %add3A_373 = arith.constant 7 : i32
    %add3A_374 = arith.addi %mul3A_372, %add3A_373 : i32
    %mul3A_375 = arith.constant 64 : i32
    %mul3A_376 = arith.muli %add3A_374, %mul3A_375 : i32
    %dma_start3A_377 = arith.constant 0 : i32
    %dma_start3A_378 = tpu.memref_slice %arg4[%mul3A_376, %dma_start3A_377] : memref<16384x256xf32, #tpu.memory_space<hbm>> -> memref<64x128xf32, #tpu.memory_space<hbm>>
    %dma_start3A_379 = arith.constant 0 : i32
    %dma_start3A_380 = tpu.memref_slice %arg4[%mul3A_376, %dma_start3A_379] : memref<16384x256xf32, #tpu.memory_space<hbm>> -> memref<64x128xf32, #tpu.memory_space<hbm>>
    tpu.enqueue_dma source(%arg7 : memref<64x128xf32, #tpu.memory_space<vmem>>) target(%dma_start3A_380 : memref<64x128xf32, #tpu.memory_space<hbm>>) target_semaphore(%arg15 : memref<!tpu.dma_semaphore, #tpu.memory_space<semaphore_mem>>)
    %dma_start3A_381 = arith.constant 128 : i32
    %dma_start3A_382 = tpu.memref_slice %arg4[%mul3A_376, %dma_start3A_381] : memref<16384x256xf32, #tpu.memory_space<hbm>> -> memref<64x128xf32, #tpu.memory_space<hbm>>
    %dma_start3A_383 = arith.constant 128 : i32
    %dma_start3A_384 = tpu.memref_slice %arg4[%mul3A_376, %dma_start3A_383] : memref<16384x256xf32, #tpu.memory_space<hbm>> -> memref<64x128xf32, #tpu.memory_space<hbm>>
    tpu.enqueue_dma source(%arg9 : memref<64x128xf32, #tpu.memory_space<vmem>>) target(%dma_start3A_384 : memref<64x128xf32, #tpu.memory_space<hbm>>) target_semaphore(%arg17 : memref<!tpu.dma_semaphore, #tpu.memory_space<semaphore_mem>>)
    %dma_wait3A_385 = arith.constant 0 : i32
    %dma_wait3A_386 = tpu.memref_slice %arg4[%mul3A_348, %dma_wait3A_385] : memref<16384x256xf32, #tpu.memory_space<hbm>> -> memref<64x128xf32, #tpu.memory_space<hbm>>
    %dma_wait3A_387 = arith.constant 0 : i32
    %dma_wait3A_388 = tpu.memref_slice %arg4[%mul3A_348, %dma_wait3A_387] : memref<16384x256xf32, #tpu.memory_space<hbm>> -> memref<64x128xf32, #tpu.memory_space<hbm>>
    tpu.wait_dma2 semaphore(%arg14 : memref<!tpu.dma_semaphore, #tpu.memory_space<semaphore_mem>>) src(%arg6 : memref<64x128xf32, #tpu.memory_space<vmem>>) dst(%dma_wait3A_388 : memref<64x128xf32, #tpu.memory_space<hbm>>)
    %dma_wait3A_389 = arith.constant 0 : i32
    %dma_wait3A_390 = tpu.memref_slice %arg4[%mul3A_376, %dma_wait3A_389] : memref<16384x256xf32, #tpu.memory_space<hbm>> -> memref<64x128xf32, #tpu.memory_space<hbm>>
    %dma_wait3A_391 = arith.constant 0 : i32
    %dma_wait3A_392 = tpu.memref_slice %arg4[%mul3A_376, %dma_wait3A_391] : memref<16384x256xf32, #tpu.memory_space<hbm>> -> memref<64x128xf32, #tpu.memory_space<hbm>>
    tpu.wait_dma2 semaphore(%arg15 : memref<!tpu.dma_semaphore, #tpu.memory_space<semaphore_mem>>) src(%arg7 : memref<64x128xf32, #tpu.memory_space<vmem>>) dst(%dma_wait3A_392 : memref<64x128xf32, #tpu.memory_space<hbm>>)
    %dma_wait3A_393 = arith.constant 128 : i32
    %dma_wait3A_394 = tpu.memref_slice %arg4[%mul3A_348, %dma_wait3A_393] : memref<16384x256xf32, #tpu.memory_space<hbm>> -> memref<64x128xf32, #tpu.memory_space<hbm>>
    %dma_wait3A_395 = arith.constant 128 : i32
    %dma_wait3A_396 = tpu.memref_slice %arg4[%mul3A_348, %dma_wait3A_395] : memref<16384x256xf32, #tpu.memory_space<hbm>> -> memref<64x128xf32, #tpu.memory_space<hbm>>
    tpu.wait_dma2 semaphore(%arg16 : memref<!tpu.dma_semaphore, #tpu.memory_space<semaphore_mem>>) src(%arg8 : memref<64x128xf32, #tpu.memory_space<vmem>>) dst(%dma_wait3A_396 : memref<64x128xf32, #tpu.memory_space<hbm>>)
    %dma_wait3A_397 = arith.constant 128 : i32
    %dma_wait3A_398 = tpu.memref_slice %arg4[%mul3A_376, %dma_wait3A_397] : memref<16384x256xf32, #tpu.memory_space<hbm>> -> memref<64x128xf32, #tpu.memory_space<hbm>>
    %dma_wait3A_399 = arith.constant 128 : i32
    %dma_wait3A_400 = tpu.memref_slice %arg4[%mul3A_376, %dma_wait3A_399] : memref<16384x256xf32, #tpu.memory_space<hbm>> -> memref<64x128xf32, #tpu.memory_space<hbm>>
    tpu.wait_dma2 semaphore(%arg17 : memref<!tpu.dma_semaphore, #tpu.memory_space<semaphore_mem>>) src(%arg9 : memref<64x128xf32, #tpu.memory_space<vmem>>) dst(%dma_wait3A_400 : memref<64x128xf32, #tpu.memory_space<hbm>>)
    return
  }
}

module attributes {stable_mosaic.version = 14 : i64} {
  func.func @body(%arg0: i32, %arg1: memref<32x65536xf32, #tpu.memory_space<vmem>>, %arg2: memref<128x128xbf16, #tpu.memory_space<vmem>>, %arg3: memref<16384x128xf32, #tpu.memory_space<vmem>>) attributes {dimension_semantics = [#tpu.dimension_semantics<arbitrary>], iteration_bounds = array<i64: 16>, scalar_prefetch = 0 : i64, scratch_operands = 0 : i64, tpu.core_type = #tpu.core_type<tc>, window_params = [{transform_indices = @transform_0, window_bounds = array<i64: 32, 65536>}, {pipeline_mode = #tpu.pipeline_mode<synchronous>, transform_indices = @transform_1, window_bounds = array<i64: 128, 128>}, {transform_indices = @transform_2, window_bounds = array<i64: 16384, 128>}]} {
    %get3A = arith.constant 0 : index
    %get3A_0 = arith.constant 0 : index
    %get3A_1 = vector.load %arg1[%get3A, %get3A_0] : memref<32x65536xf32, #tpu.memory_space<vmem>>, vector<32x65536xf32>
    %convert_element_type3A = arith.truncf %get3A_1 : vector<32x65536xf32> to vector<32x65536xbf16>
    %slice3A = vector.extract_strided_slice %convert_element_type3A {offsets = [0, 0], sizes = [32, 16384], strides = [1, 1]} : vector<32x65536xbf16> to vector<32x16384xbf16>
    %slice3A_2 = vector.extract_strided_slice %convert_element_type3A {offsets = [0, 16384], sizes = [32, 16384], strides = [1, 1]} : vector<32x65536xbf16> to vector<32x16384xbf16>
    %slice3A_3 = vector.extract_strided_slice %convert_element_type3A {offsets = [0, 32768], sizes = [32, 16384], strides = [1, 1]} : vector<32x65536xbf16> to vector<32x16384xbf16>
    %slice3A_4 = vector.extract_strided_slice %convert_element_type3A {offsets = [0, 49152], sizes = [32, 16384], strides = [1, 1]} : vector<32x65536xbf16> to vector<32x16384xbf16>
    %concatenate3A = tpu.concatenate %slice3A, %slice3A_2, %slice3A_3, %slice3A_4 in 0 : vector<32x16384xbf16>, vector<32x16384xbf16>, vector<32x16384xbf16>, vector<32x16384xbf16> -> vector<128x16384xbf16>
    %get3A_5 = arith.constant 0 : index
    %get3A_6 = arith.constant 0 : index
    %get3A_7 = vector.load %arg2[%get3A_5, %get3A_6] : memref<128x128xbf16, #tpu.memory_space<vmem>>, vector<128x128xbf16>
    %dot_general3A = arith.constant dense<0.000000e+00> : vector<16384x128xf32>
    %dot_general3A_8 = tpu.matmul %concatenate3A, %get3A_7, %dot_general3A {dimension_numbers = #tpu.dot_dimension_numbers<[0], [0], [1], [1], [0, 1, 1, 1], [], []>, transpose_lhs_hint = false} : vector<128x16384xbf16>, vector<128x128xbf16>, vector<16384x128xf32> -> vector<16384x128xf32>
    %swap3A = arith.constant 0 : index
    %swap3A_9 = arith.constant 0 : index
    %swap3A_10 = vector.load %arg3[%swap3A, %swap3A_9] : memref<16384x128xf32, #tpu.memory_space<vmem>>, vector<16384x128xf32>
    tpu.vector_store %arg3[%swap3A, %swap3A_9], %dot_general3A_8 {strides = array<i32>} : memref<16384x128xf32, #tpu.memory_space<vmem>>, vector<16384x128xf32>,
    return
  }
  func.func @transform_0(%arg0: i32) -> (i32, i32) {
    %c0_i32 = arith.constant 0 : i32
    %c0_i32_0 = arith.constant 0 : i32
    return %c0_i32, %arg0 : i32, i32
  }
  func.func @transform_1(%arg0: i32) -> (i32, i32) {
    %c0_i32 = arith.constant 0 : i32
    %c0_i32_0 = arith.constant 0 : i32
    %c0_i32_1 = arith.constant 0 : i32
    return %c0_i32, %c0_i32_0 : i32, i32
  }
  func.func @transform_2(%arg0: i32) -> (i32, i32) {
    %c0_i32 = arith.constant 0 : i32
    %c0_i32_0 = arith.constant 0 : i32
    return %arg0, %c0_i32 : i32, i32
  }
}

module attributes {stable_mosaic.version = 14 : i64} {
  func.func @body(%arg0: i32, %arg1: memref<1024x256xf32, #tpu.memory_space<vmem>>, %arg2: memref<1024x2xi32, #tpu.memory_space<vmem>>, %arg3: memref<256x64xf32, #tpu.memory_space<vmem>>, %arg4: memref<1x64xf32, #tpu.memory_space<vmem>>, %arg5: memref<64x1xf32, #tpu.memory_space<vmem>>, %arg6: memref<1x1xf32, #tpu.memory_space<vmem>>, %arg7: memref<1024x1xf32, #tpu.memory_space<vmem>>) attributes {dimension_semantics = [#tpu.dimension_semantics<arbitrary>], iteration_bounds = array<i64: 16>, scalar_prefetch = 0 : i64, scratch_operands = 0 : i64, tpu.core_type = #tpu.core_type<tc>, window_params = [{transform_indices = @transform_0, window_bounds = array<i64: 1024, 256>}, {transform_indices = @transform_1, window_bounds = array<i64: 1024, 2>}, {pipeline_mode = #tpu.pipeline_mode<synchronous>, transform_indices = @transform_2, window_bounds = array<i64: 256, 64>}, {pipeline_mode = #tpu.pipeline_mode<synchronous>, transform_indices = @transform_3, window_bounds = array<i64: 1, 64>}, {pipeline_mode = #tpu.pipeline_mode<synchronous>, transform_indices = @transform_4, window_bounds = array<i64: 64, 1>}, {pipeline_mode = #tpu.pipeline_mode<synchronous>, transform_indices = @transform_5, window_bounds = array<i64: 1, 1>}, {transform_indices = @transform_6, window_bounds = array<i64: 1024, 1>}]} {
    %get3A = arith.constant 0 : index
    %get3A_0 = arith.constant 0 : index
    %get3A_1 = vector.load %arg1[%get3A, %get3A_0] : memref<1024x256xf32, #tpu.memory_space<vmem>>, vector<1024x256xf32>
    %get3A_2 = arith.constant 0 : index
    %get3A_3 = arith.constant 0 : index
    %get3A_4 = vector.load %arg2[%get3A_2, %get3A_3] : memref<1024x2xi32, #tpu.memory_space<vmem>>, vector<1024x1xi32>
    %get3A_5 = arith.constant 0 : index
    %get3A_6 = arith.constant 1 : index
    %get3A_7 = vector.load %arg2[%get3A_5, %get3A_6] : memref<1024x2xi32, #tpu.memory_space<vmem>>, vector<1024x1xi32>
    %iota3A = tpu.iota {dimensions = array<i32: 1>} : vector<1024x256xi32>
    %lt3A = arith.constant 128 : i32
    %lt3A_8 = vector.broadcast %lt3A : i32 to vector<1024x256xi32>
    %lt3A_9 = arith.cmpi slt, %iota3A, %lt3A_8 : vector<1024x256xi32>
    %broadcast_in_dim3A = vector.shape_cast %get3A_4 : vector<1024x1xi32> to vector<1024x1xi32>
    %broadcast_in_dim3A_10 = vector.broadcast %broadcast_in_dim3A : vector<1024x1xi32> to vector<1024x256xi32>
    %broadcast_in_dim3A_11 = vector.shape_cast %get3A_7 : vector<1024x1xi32> to vector<1024x1xi32>
    %broadcast_in_dim3A_12 = vector.broadcast %broadcast_in_dim3A_11 : vector<1024x1xi32> to vector<1024x256xi32>
    %select_n3A = arith.select %lt3A_9, %broadcast_in_dim3A_10, %broadcast_in_dim3A_12 : vector<1024x256xi1>, vector<1024x256xi32>
    %shift_right_arithmetic3A = arith.constant 5 : i32
    %shift_right_arithmetic3A_13 = vector.broadcast %shift_right_arithmetic3A : i32 to vector<1024x256xi32>
    %shift_right_arithmetic3A_14 = arith.shrsi %iota3A, %shift_right_arithmetic3A_13 : vector<1024x256xi32>
    %and3A = arith.constant 3 : i32
    %and3A_15 = vector.broadcast %and3A : i32 to vector<1024x256xi32>
    %and3A_16 = arith.andi %shift_right_arithmetic3A_14, %and3A_15 : vector<1024x256xi32>
    %eq3A = arith.cmpi eq, %and3A_16, %select_n3A : vector<1024x256xi32>
    %jit3A = arith.constant 0.000000e+00 : f32
    %broadcast_in_dim3A_17 = vector.broadcast %jit3A : f32 to vector<1024x256xf32>
    %select_n3A_18 = arith.select %eq3A, %get3A_1, %broadcast_in_dim3A_17 : vector<1024x256xi1>, vector<1024x256xf32>
    %get3A_19 = arith.constant 0 : index
    %get3A_20 = arith.constant 0 : index
    %get3A_21 = vector.load %arg3[%get3A_19, %get3A_20] : memref<256x64xf32, #tpu.memory_space<vmem>>, vector<256x64xf32>
    %dot_general3A = arith.constant dense<0.000000e+00> : vector<1024x64xf32>
    %dot_general3A_22 = tpu.matmul %select_n3A_18, %get3A_21, %dot_general3A {dimension_numbers = #tpu.dot_dimension_numbers<[1], [0], [0], [1], [0, 0, 1, 1], [], []>, transpose_lhs_hint = false} : vector<1024x256xf32>, vector<256x64xf32>, vector<1024x64xf32> -> vector<1024x64xf32>
    %get3A_23 = arith.constant 0 : index
    %get3A_24 = arith.constant 0 : index
    %get3A_25 = vector.load %arg4[%get3A_23, %get3A_24] : memref<1x64xf32, #tpu.memory_space<vmem>>, vector<1x64xf32>
    %add3A = vector.broadcast %get3A_25 : vector<1x64xf32> to vector<1024x64xf32>
    %add3A_26 = arith.addf %dot_general3A_22, %add3A : vector<1024x64xf32>
    %tanh3A = math.tanh %add3A_26 : vector<1024x64xf32>
    %get3A_27 = arith.constant 0 : index
    %get3A_28 = arith.constant 0 : index
    %get3A_29 = vector.load %arg5[%get3A_27, %get3A_28] : memref<64x1xf32, #tpu.memory_space<vmem>>, vector<64x1xf32>
    %dot_general3A_30 = arith.constant dense<0.000000e+00> : vector<1024x1xf32>
    %dot_general3A_31 = tpu.matmul %tanh3A, %get3A_29, %dot_general3A_30 {dimension_numbers = #tpu.dot_dimension_numbers<[1], [0], [0], [1], [0, 0, 1, 1], [], []>, transpose_lhs_hint = false} : vector<1024x64xf32>, vector<64x1xf32>, vector<1024x1xf32> -> vector<1024x1xf32>
    %get3A_32 = arith.constant 0 : index
    %get3A_33 = arith.constant 0 : index
    %get3A_34 = vector.load %arg6[%get3A_32, %get3A_33] : memref<1x1xf32, #tpu.memory_space<vmem>>, vector<1x1xf32>
    %add3A_35 = vector.broadcast %get3A_34 : vector<1x1xf32> to vector<1024x1xf32>
    %add3A_36 = arith.addf %dot_general3A_31, %add3A_35 : vector<1024x1xf32>
    %swap3A = arith.constant 0 : index
    %swap3A_37 = arith.constant 0 : index
    %swap3A_38 = vector.load %arg7[%swap3A, %swap3A_37] : memref<1024x1xf32, #tpu.memory_space<vmem>>, vector<1024x1xf32>
    tpu.vector_store %arg7[%swap3A, %swap3A_37], %add3A_36 {strides = array<i32>} : memref<1024x1xf32, #tpu.memory_space<vmem>>, vector<1024x1xf32>,
    return
  }
  func.func @transform_0(%arg0: i32) -> (i32, i32) {
    %c0_i32 = arith.constant 0 : i32
    %c0_i32_0 = arith.constant 0 : i32
    return %arg0, %c0_i32 : i32, i32
  }
  func.func @transform_1(%arg0: i32) -> (i32, i32) {
    %c0_i32 = arith.constant 0 : i32
    %c0_i32_0 = arith.constant 0 : i32
    return %arg0, %c0_i32 : i32, i32
  }
  func.func @transform_2(%arg0: i32) -> (i32, i32) {
    %c0_i32 = arith.constant 0 : i32
    %c0_i32_0 = arith.constant 0 : i32
    %c0_i32_1 = arith.constant 0 : i32
    return %c0_i32, %c0_i32_0 : i32, i32
  }
  func.func @transform_3(%arg0: i32) -> (i32, i32) {
    %c0_i32 = arith.constant 0 : i32
    %c0_i32_0 = arith.constant 0 : i32
    %c0_i32_1 = arith.constant 0 : i32
    return %c0_i32, %c0_i32_0 : i32, i32
  }
  func.func @transform_4(%arg0: i32) -> (i32, i32) {
    %c0_i32 = arith.constant 0 : i32
    %c0_i32_0 = arith.constant 0 : i32
    %c0_i32_1 = arith.constant 0 : i32
    return %c0_i32, %c0_i32_0 : i32, i32
  }
  func.func @transform_5(%arg0: i32) -> (i32, i32) {
    %c0_i32 = arith.constant 0 : i32
    %c0_i32_0 = arith.constant 0 : i32
    %c0_i32_1 = arith.constant 0 : i32
    return %c0_i32, %c0_i32_0 : i32, i32
  }
  func.func @transform_6(%arg0: i32) -> (i32, i32) {
    %c0_i32 = arith.constant 0 : i32
    %c0_i32_0 = arith.constant 0 : i32
    return %arg0, %c0_i32 : i32, i32
  }
}

</mosaic_0001>

<sc_bundles>
// kernel: kernel.5.cloned.1.call-start
scs
__scs_entry_jumppad:
0x0: {  	(pc) =	sbr.rel $0x88, $3  }
0x1: {  	(tag) =	ssettag $0x0;
	lr =	simm.s32 $0x1  }
0x2: {  	[smem:$0x3F9B] =	sst lr;
	_ =	strace $0xD0000000  }
0x3: {  	_ = 	snop  }
0x4: {  	_ = 	snop  }
0x5: {  	_ = 	snop  }
0x6: {  	_ = 	snop  }
0x7: {  	_ = 	snop  }
__scs_overlays_trampoline_lowered:
0x8: {  	[smem:$0x3FAA] =	sst s0  }
0x9: {  	[smem:$0x3FAB] =	sst s1  }
0xa: {  	[smem:$0x3FAC] =	sst s2  }
0xb: {  	[smem:$0x3FAD] =	sst s3  }
0xc: {  	[smem:$0x3FAE] =	sst s4  }
0xd: {  	[smem:$0x3FAF] =	sst s5  }
0xe: {  	[smem:$0x3FB0] =	sst s6  }
0xf: {  	[smem:$0x3FB1] =	sst s7  }
0x10: {  	[smem:$0x3FB2] =	sst s8  }
0x11: {  	[smem:$0x3FB3] =	sst s9;
	s0 =	simm.s32 @!p0 $0x0  }
0x12: {  	s1 =	sld [smem:$0x3F99];
	s0 =	simm.s32 @p0 $0x1  }
0x13: {  	[smem:$0x3FB4] =	sst s0;
	s0 =	simm.s32 @!p1 $0x0  }
0x14: {  	s2 =	sld [smem:$0x3F98];
	s0 =	simm.s32 @p1 $0x1  }
0x15: {  	[smem:$0x3FB5] =	sst s0;
	s0 =	simm.s32 @!p2 $0x0  }
0x16: {  	s3 =	sld [smem:$0x3FDB];
	s0 =	simm.s32 @p2 $0x1  }
0x17: {  	s4 =	simm.s32 $0x1BF5;
	[smem:$0x3FB7] =	sst s0  }
0x18: {  	s0 =	sld [smem:$0x3F9A];
	_ =	swait.ge [sflag:s4], $0x0  }
0x19: {  	s7 =	sld [smem:$0x3F9B]  }
0x1a: {  	s8 =	sadd.s32 $0xFFFFE003, lr  }
0x1b: {  	s9 =	sadd.s32 $0xFFFFFEF7, lr;
	s5 =	simm.s32 $0xFFFFFFFF;
	p2 =	slt.u32 s8, $0xFFFFF086  }
0x1c: {  	p1 =	slt.u32 s9, $0xF7A;
	s5 =	simm.s32 @!p2 $0x0  }
0x1d: {  	s5 =	simm.s32 @p1 $0x1;
	p0 =	seq.s32 s7, s2  }
0x1e: {  	s7 =	smul.u32 @!p0 $0xF7A, s2;
	p2 =	seq.s32 @!p0 s5, $0x0  }
0x1f: {  	s9 =	smul.u32 $0xF7A, s1;
	s8 =	simm.s32 @!p0 $0x1BF5;
	p2 =	por !p2, p0  }
0x20: {  	[sflag:s8] =	ssyncset.s32 @!p0 $0xFFFFF086;
	s6 =	sadd.s32 @!p0 s3, s7;
	s7 =	simm.s32 @!p0 $0x108  }
0x21: {  	s3 =	sadd.s32 s3, s9;
	s6 =	sadd.s32 @!p0 $0x88, s6;
	s7 =	simm.s32 @p2 $0x1082  }
0x22: {  	[simem:s7], [sflag:s8] =	dma.local @!p0 [hbm:s6], $0xF7A  }
0x23: {  	s9 =	sor.u32 $0xD0000000, s2;
	s6 =	simm.s32 $0x108;
	_ =	swait.ge @!p0 [sflag:s8], $0x0  }
0x24: {  	s3 =	sadd.s32 $0x88, s3;
	s6 =	simm.s32 @!p1 $0x1082;
	[sflag:s4] =	ssyncset.s32 $0xFFFFF086  }
0x25: {  	[simem:s6], [sflag:s4] =	dma.local [hbm:s3], $0xF7A  }
0x26: {  	[smem:$0x3F9B] =	sst s1;
	(tag) =	ssettag s2;
	_ =	strace s9  }
0x27: {  	s1 =	sld [smem:$0x3FAB]  }
0x28: {  	s2 =	sld [smem:$0x3FAC]  }
0x29: {  	s4 =	sld [smem:$0x3FAE]  }
0x2a: {  	p0 =	seq.s32 s5, $0x0;
	s5 =	sld [smem:$0x3FAF]  }
0x2b: {  	s6 =	sld [smem:$0x3FB0]  }
0x2c: {  	s7 =	sld [smem:$0x3FB1]  }
0x2d: {  	s3 =	simm.s32 $0x108;
	s8 =	sld [smem:$0x3FB2]  }
0x2e: {  	s3 =	simm.s32 @!p0 $0x1082;
	s9 =	sld [smem:$0x3FB3]  }
0x2f: {  	lr =	sadd.s32 s0, s3;
	s0 =	sld [smem:$0x3FAA]  }
0x30: {  	s3 =	sld [smem:$0x3FAD]  }
0x31: {  	[smem:$0x3FB6] =	sst s10  }
0x32: {  	s10 =	sld [smem:$0x3FB4];
	_ =	sdelay $0x3  }
0x33: {  	p0 =	seq.s32 s10, $0x1;
	s10 =	sld [smem:$0x3FB6];
	_ =	sdelay $0x3  }
0x34: {  	[smem:$0x3FB6] =	sst s10  }
0x35: {  	s10 =	sld [smem:$0x3FB5];
	_ =	sdelay $0x3  }
0x36: {  	p1 =	seq.s32 s10, $0x1;
	s10 =	sld [smem:$0x3FB6];
	_ =	sdelay $0x3  }
0x37: {  	[smem:$0x3FB6] =	sst s10  }
0x38: {  	s10 =	sld [smem:$0x3FB7]  }
0x39: {  	_ = 	snop;
	(pc) =	sbr.ind lr, $3  }
0x3a: {  	_ = 	snop  }
0x3b: {  	_ = 	snop  }
0x3c: {  	p2 =	seq.s32 s10, $0x1;
	s10 =	sld [smem:$0x3FB6]  }
0x3d: {  	_ =	shalt  }
0x3e: {  	_ =	shalt  }
0x3f: {  	_ =	shalt  }
0x40: {  	_ =	shalt  }
0x41: {  	_ =	shalt  }
0x42: {  	_ =	shalt  }
0x43: {  	_ =	shalt  }
0x44: {  	_ =	shalt  }
0x45: {  	_ =	shalt  }
0x46: {  	_ =	shalt  }
0x47: {  	_ =	shalt  }
0x48: {  	_ =	shalt  }
0x49: {  	_ =	shalt  }
0x4a: {  	_ =	shalt  }
0x4b: {  	_ =	shalt  }
0x4c: {  	_ =	shalt  }
0x4d: {  	_ =	shalt  }
0x4e: {  	_ =	shalt  }
0x4f: {  	_ =	shalt  }
0x50: {  	_ =	shalt  }
0x51: {  	_ =	shalt  }
0x52: {  	_ =	shalt  }
0x53: {  	_ =	shalt  }
0x54: {  	_ =	shalt  }
0x55: {  	_ =	shalt  }
0x56: {  	_ =	shalt  }
0x57: {  	_ =	shalt  }
0x58: {  	_ =	shalt  }
0x59: {  	_ =	shalt  }
0x5a: {  	_ =	shalt  }
0x5b: {  	_ =	shalt  }
0x5c: {  	_ =	shalt  }
0x5d: {  	_ =	shalt  }
0x5e: {  	_ =	shalt  }
0x5f: {  	_ =	shalt  }
0x60: {  	_ =	shalt  }
0x61: {  	_ =	shalt  }
0x62: {  	_ =	shalt  }
0x63: {  	_ =	shalt  }
0x64: {  	_ =	shalt  }
0x65: {  	_ =	shalt  }
0x66: {  	_ =	shalt  }
0x67: {  	_ =	shalt  }
0x68: {  	_ =	shalt  }
0x69: {  	_ =	shalt  }
0x6a: {  	_ =	shalt  }
0x6b: {  	_ =	shalt  }
0x6c: {  	_ =	shalt  }
0x6d: {  	_ =	shalt  }
0x6e: {  	_ =	shalt  }
0x6f: {  	_ =	shalt  }
0x70: {  	_ =	shalt  }
0x71: {  	_ =	shalt  }
0x72: {  	_ =	shalt  }
0x73: {  	_ =	shalt  }
0x74: {  	_ =	shalt  }
0x75: {  	_ =	shalt  }
0x76: {  	_ =	shalt  }
0x77: {  	_ =	shalt  }
0x78: {  	_ =	shalt  }
0x79: {  	_ =	shalt  }
0x7a: {  	_ =	shalt  }
0x7b: {  	_ =	shalt  }
0x7c: {  	_ =	shalt  }
0x7d: {  	_ =	shalt  }
0x7e: {  	_ =	shalt  }
0x7f: {  	_ =	shalt  }
0x80: {  	_ =	shalt  }
0x81: {  	_ =	shalt  }
0x82: {  	_ =	shalt  }
0x83: {  	_ =	shalt  }
0x84: {  	_ =	shalt  }
0x85: {  	_ =	shalt  }
0x86: {  	_ =	shalt  }
0x87: {  	_ =	shalt  }
.Lfunc_end0:
.L_simem_size_0:
called_computation_lowered:
.L_overlay_start_0:
0x88: {  	s2 =	sld [smem:$0x3FD9]  }
0x89: {  	s3 =	sld [smem:$0x3FFE];
	_ =	sdelay $0x1  }
0x8a: {  	s1 =	srdreg.scid  }
0x8b: {  	s0 =	sand.u32 $0x1, s1  }
0x8c: {  	s16 =	sshll.u32 s0, $0xA;
	s2 =	sadd.s32 s3, s2  }
0x8d: {  	s2 =	sadd.s32 s2, s16  }
0x8e: {  	[smem:$0x3FC2] =	sst s2  }
0x8f: {  	_ = 	snop  }
0x90: {  	(tm) =	ssettm $0x1  }
0x91: {  	s17 =	sld [smem:$0x3FFB];
	_ =	sdelay $0x3  }
0x92: {  	_ =	strace s17  }
0x93: {  	s2 =	sld [smem:$0x3FFC];
	_ =	sdelay $0x3  }
0x94: {  	_ =	strace s2  }
0x95: {  	s2 =	sld [smem:$0x3FFD];
	_ =	sdelay $0x3  }
0x96: {  	_ =	strace s2  }
0x97: {  	_ =	strace $0x8FFFFFFF  }
0x98: {  	s18 =	sld [smem:$0x3FDB];
	_ =	sdelay $0x1  }
0x99: {  	s19 =	simm.s32 $_scs_section_size  }
0x9a: {  	s4 =	simm.s32 $_size__tile_overlayer_lowered;
	s5 =	simm.s32 $_tile_overlayer_lowered  }
0x9b: {  	s22 =	simm.s32 $0x1BFF;
	s21 =	sshll.u32 s5, $0x1;
	s2 =	sadd.s32 s19, s18  }
0x9c: {  	s6 =	simm.s32 $0x0;
	s20 =	sshll.u32 s4, $0x1;
	s4 =	sadd.s32 s21, s2  }
0x9d: {  	[timem:s6], [sflag:s22] =	dma.local [hbm:s4], s20  }
0x9e: {  	_ =	swait.ge [sflag:s22], s20  }
0x9f: {  	s3 =	ssub.s32 $0x0, s20;
	[sflag:s22] =	ssyncset.done $0x0  }
0xa0: {  	[sflag:s22] =	ssyncadd.s32 s3;
	_ =	sdelay $0x1  }
0xa1: {  	s23 =	simm.s32 $0x1B8B  }
0xa2: {  	_ =	swait.ge [sflag:s23], $0x1  }
0xa3: {  	[sflag:s23] =	ssyncset.done $0x0  }
0xa4: {  	s25 =	simm.s32 $0x1B8E;
	s24 =	sld [smem:$0x3FFE];
	[sflag:s23] =	ssyncadd.s32 $0xFFFFFFFF  }
0xa5: {  	s26 =	simm.s32 $execute0_lowered;
	[smem:$0x3FD2] =	sst s25  }
0xa6: {  	s4 =	sshll.u32 s26, $0x1;
	_ =	strace $0x80000046;
	[dreg:$0x1] =	wrdreg $0xFFFFFFFF  }
0xa7: {  	s28 =	simm.s32 $_size_execute0_lowered;
	s2 =	sadd.s32 s2, s4;
	[dreg:$0x0] =	wrdreg $0x0  }
0xa8: {  	s4 =	sshll.u32 s28, $0x1;
	[dreg:$0x2] =	wrdreg s2  }
0xa9: {  	[dreg:$0x3] =	wrdreg s4  }
0xaa: {  	[dreg:$0x4] =	wrdreg $0xC0  }
0xab: {  	_ =	task [dreg:s6], $0x5FFFF  }
0xac: {  	[dreg:$0x1] =	wrdreg $0xFFFFFFFF  }
0xad: {  	[dreg:$0x0] =	wrdreg $0x60  }
0xae: {  	[dreg:$0x2] =	wrdreg s24  }
0xaf: {  	[dreg:$0x3] =	wrdreg $0x9  }
0xb0: {  	_ =	task.clear_ibuf [dreg:s6], $0x4FFFF;
	_ =	strace $0x90000046  }
0xb1: {  	s29 =	simm.s32 $0x9;
	_ =	strace $0x80000048  }
0xb2: {  	_ =	swait.ge [sflag:s29], $0x1  }
0xb3: {  	[sflag:s29] =	ssyncadd.s32 $0xFFFFFFFF  }
0xb4: {  	_ =	strace $0x90000048  }
0xb5: {  	_ =	sfence  }
0xb6: {  	s30 =	sld [smem:$0x0];
	_ =	sdelay $0x2  }
0xb7: {  	s31 =	sshll.u32 s1, $0xD;
	s1 =	sshrl.u32 s1, $0x2  }
0xb8: {  	s3 =	sand.u32 $0x4000, s31;
	s1 =	sadd.s32 s1, s30  }
0xb9: {  	s0 =	sor.u32 s3, s0;
	s1 =	sshll.u32 s1, $0x11  }
0xba: {  	s0 =	sor.u32 s1, s0  }
0xbb: {  	s0 =	sadd.s32 $0x8F2B, s0  }
0xbc: {  	[sflag:s0] =	ssyncadd.remote.s32 $0x1  }
0xbd: {  	_ =	sfence.sel $0xFFFF  }
0xbe: {  	[dreg:$0x0] =	wrdreg $0xFFFFFFFF;
	(pc) =	sbr.abs _section_cstart, $3  }
0xbf: {  	[dreg:$0x1] =	wrdreg $0xFFFFFFFF  }
0xc0: {  	_ =	task.clear_ibuf [dreg:s6], $0x2FFFF;
	_ =	strace $0x9FFFFFFF  }
0xc1: {  	(tm) =	ssettm $0x7FFFFFFF  }
tec
execute0_lowered:
.L_overlay_start_1:
0x0: {  	(tag) =	ssettag $0x1  }
0x1: {  	s0 =	srdreg.scid  }
0x2: {  	s17 =	stileid.u32;
	s2 =	rddreg [dreg:$0x0]  }
0x3: {  	s23 =	simm.s32 $0x0;
	s0 =	sand.u32 $0x1, s0;
	s1 =	sshll.u32 s17, $0x1  }
0x4: {  	s25 =	simm.s32 $0x80;
	[smem:$0x7FF] =	sst s23;
	s1 =	sor.u32 s0, s1  }
0x5: {  	s26 =	simm.s32 $0xC0;
	_ =	strace $0x80000047;
	s3 =	sshll.u32 s1, $0x7  }
0x6: {  	[dreg:$0x13] =	wrdreg s25;
	s1 =	sshll.u32 s1, $0xE;
	s3 =	sadd.s32 s3, s2  }
0x7: {  	[dreg:$0x14] =	wrdreg s26;
	s1 =	sadd.s32 s1, s2;
	s3 =	sadd.s32 $0x1600, s3  }
0x8: {  	s31 =	simm.s32 $0x9;
	s8 =	sadd.s32 $0x402600, s1;
	[dreg:$0x2] =	wrdreg s3  }
0x9: {  	s6 =	simm.s32 $0x6400;
	s9 =	sadd.s32 $0x402680, s1;
	[dreg:$0x3] =	wrdreg s8  }
0xa: {  	s7 =	simm.s32 $0x5;
	s10 =	sadd.s32 $0x402E00, s1;
	[dreg:$0x4] =	wrdreg s9  }
0xb: {  	s30 =	simm.s32 $0x140;
	s11 =	sadd.s32 $0x402E80, s1;
	[dreg:$0x5] =	wrdreg s10  }
0xc: {  	s5 =	simm.s32 $0x8;
	s12 =	sadd.s32 $0x403600, s1;
	[dreg:$0x6] =	wrdreg s11  }
0xd: {  	s28 =	simm.s32 $0x180;
	s13 =	sadd.s32 $0x403680, s1;
	[dreg:$0x7] =	wrdreg s12  }
0xe: {  	s29 =	simm.s32 $0x1C0;
	s14 =	sadd.s32 $0x403E00, s1;
	[dreg:$0x8] =	wrdreg s13  }
0xf: {  	p0 =	por $0x0, $0x0;
	s15 =	sadd.s32 $0x403E80, s1;
	[dreg:$0x9] =	wrdreg s14  }
0x10: {  	s0 =	ssub.s32 $0x2, s0;
	s16 =	sadd.s32 $0x404600, s1;
	[dreg:$0xa] =	wrdreg s15  }
0x11: {  	s25 =	simm.s32 $0x200;
	s18 =	sadd.s32 $0x404680, s1;
	[dreg:$0xb] =	wrdreg s16  }
0x12: {  	s26 =	simm.s32 $0x240;
	s19 =	sadd.s32 $0x404E00, s1;
	[dreg:$0xc] =	wrdreg s18  }
0x13: {  	s4 =	sshrl.u32 s0, $0x1;
	s20 =	sadd.s32 $0x404E80, s1;
	[dreg:$0xd] =	wrdreg s19  }
0x14: {  	s0 =	ssub.s32 s0, s4;
	s21 =	sadd.s32 $0x405600, s1;
	[dreg:$0xe] =	wrdreg s20  }
0x15: {  	s4 =	simm.s32 $0x2400;
	s22 =	sadd.s32 $0x405680, s1;
	[dreg:$0xf] =	wrdreg s21  }
0x16: {  	s24 =	sadd.s32 $0x405E00, s1;
	s1 =	sadd.s32 $0x405E80, s1;
	[dreg:$0x10] =	wrdreg s22  }
0x17: {  	s0 =	smax.u32 s0, $0x1;
	[dreg:$0x11] =	wrdreg s24;
	s11 =	sadd.s32 $0x2600, s2  }
0x18: {  	[dreg:$0x12] =	wrdreg s1;
	s12 =	simm.s32 $0x40;
	s2 =	simm.s32 $0x400  }
0x19: {  	s9 =	simm.s32 $0x4400;
	s16 =	simm.s32 $0x1;
	p1 =	sne.s32 s0, $0x1  }
.Ltmp0:
0x1a: {  	s14 =	simm.s32 $0x3;
	s8 =	simm.s32 $0x800;
	(pc) =	sbr.rel @!p1 .LBB2_1-.Ltmp0, $4  }
0x1b: {  	s3 =	simm.s32 $0x7;
	s15 =	simm.s32 $0x2;
	s13 =	simm.s32 $0x4  }
0x1c: {  	s10 =	simm.s32 $0x6;
	s1 =	sadd.s32 $0xFFFFFFFF, s0;
	s22 =	simm.s32 $0x280  }
0x1d: {  	s24 =	simm.s32 $0x2C0;
	s20 =	simm.s32 $0x300;
	s21 =	simm.s32 $0x340  }
0x1e: {  	s18 =	simm.s32 $0x380;
	s19 =	simm.s32 $0x3C0;
	s0 =	rddreg [dreg:$0x2]  }
0x1f: {  	[tilespmem:s23], [sflag:$0x9] =	stream.linear.gather [hbm4b:s0+s23], $0x400, $0x38;
	[tilespmem:$0x8400] =	vst v63  }
0x20: {  	_ =	swait.ge [sflag:s31], $0x400  }
0x21: {  	[sflag:s31] =	ssyncset.done $0x0  }
0x22: {  	[sflag:s31] =	ssyncadd.s32 $0xFFFFFC00  }
0x23: {  	[tilespmem:s2], [sflag:$0x1] =	stream.indirect.gather [hbm4b:s11+s12], $0x80, s23, s12, $0xb8;
	[tilespmem:$0x8400] =	vst v63  }
0x24: {  	_ = 	snop  }
0x25: {  	[tilespmem:s9], [sflag:$0x3] =	stream.indirect.gather [hbm4b:s11+s12], $0x80, s12, s12, $0xb8;
	[tilespmem:$0x8400] =	vst v63  }
0x26: {  	s0 =	rddreg [dreg:$0x13]  }
0x27: {  	[tilespmem:s4], [sflag:$0x2] =	stream.indirect.gather [hbm4b:s11+s12], $0x80, s0, s12, $0xb8;
	[tilespmem:$0x8400] =	vst v63  }
0x28: {  	s17 =	smov.u32 s1;
	s1 =	rddreg [dreg:$0x14]  }
0x29: {  	[tilespmem:s6], [sflag:$0x4] =	stream.indirect.gather [hbm4b:s11+s12], $0x80, s1, s12, $0xb8;
	[tilespmem:$0x8400] =	vst v63  }
0x2a: {  	_ =	swait.ge [sflag:s16], $0x2000  }
0x2b: {  	[sflag:s16] =	ssyncset.done $0x0  }
0x2c: {  	[sflag:s16] =	ssyncadd.s32 $0xFFFFE000  }
0x2d: {  	_ =	swait.ge [sflag:s14], $0x2000  }
0x2e: {  	[sflag:s14] =	ssyncset.done $0x0  }
0x2f: {  	s0 =	rddreg [dreg:$0x3];
	[sflag:s14] =	ssyncadd.s32 $0xFFFFE000  }
0x30: {  	[hbm4b:s0+s2] =	stream.strided.scatter [tilespmem:s2], [sflag:$0x5], $0x2000, s8, s2, $0x38;
	[tilespmem:$0x8400] =	vst v63  }
0x31: {  	s1 =	rddreg [dreg:$0x4]  }
0x32: {  	[hbm4b:s1+s2] =	stream.strided.scatter [tilespmem:s9], [sflag:$0x7], $0x2000, s8, s2, $0x38;
	[tilespmem:$0x8400] =	vst v63  }
0x33: {  	_ =	swait.ge [sflag:s7], $0x2000  }
0x34: {  	[sflag:s7] =	ssyncset.done $0x0  }
0x35: {  	[sflag:s7] =	ssyncadd.s32 $0xFFFFE000  }
0x36: {  	_ =	swait.ge [sflag:s3], $0x2000  }
0x37: {  	[sflag:s3] =	ssyncset.done $0x0  }
0x38: {  	s1 =	simm.s32 $0x100;
	[sflag:s3] =	ssyncadd.s32 $0xFFFFE000  }
0x39: {  	[tilespmem:s2], [sflag:$0x1] =	stream.indirect.gather [hbm4b:s11+s12], $0x80, s1, s12, $0xb8;
	[tilespmem:$0x8400] =	vst v63  }
0x3a: {  	_ = 	snop  }
0x3b: {  	[tilespmem:s9], [sflag:$0x3] =	stream.indirect.gather [hbm4b:s11+s12], $0x80, s30, s12, $0xb8;
	[tilespmem:$0x8400] =	vst v63  }
0x3c: {  	_ =	swait.ge [sflag:s15], $0x2000  }
0x3d: {  	[sflag:s15] =	ssyncset.done $0x0  }
0x3e: {  	[sflag:s15] =	ssyncadd.s32 $0xFFFFE000  }
0x3f: {  	_ =	swait.ge [sflag:s13], $0x2000  }
0x40: {  	[sflag:s13] =	ssyncset.done $0x0  }
0x41: {  	s0 =	rddreg [dreg:$0x5];
	[sflag:s13] =	ssyncadd.s32 $0xFFFFE000  }
0x42: {  	[hbm4b:s0+s2] =	stream.strided.scatter [tilespmem:s4], [sflag:$0x6], $0x2000, s8, s2, $0x38;
	[tilespmem:$0x8400] =	vst v63  }
0x43: {  	s1 =	rddreg [dreg:$0x6]  }
0x44: {  	[hbm4b:s1+s2] =	stream.strided.scatter [tilespmem:s6], [sflag:$0x8], $0x2000, s8, s2, $0x38;
	[tilespmem:$0x8400] =	vst v63  }
0x45: {  	_ =	swait.ge [sflag:s10], $0x2000  }
0x46: {  	[sflag:s10] =	ssyncset.done $0x0  }
0x47: {  	[sflag:s10] =	ssyncadd.s32 $0xFFFFE000  }
0x48: {  	_ =	swait.ge [sflag:s5], $0x2000  }
0x49: {  	[sflag:s5] =	ssyncset.done $0x0  }
0x4a: {  	[sflag:s5] =	ssyncadd.s32 $0xFFFFE000  }
0x4b: {  	[tilespmem:s4], [sflag:$0x2] =	stream.indirect.gather [hbm4b:s11+s12], $0x80, s28, s12, $0xb8;
	[tilespmem:$0x8400] =	vst v63  }
0x4c: {  	_ = 	snop  }
0x4d: {  	[tilespmem:s6], [sflag:$0x4] =	stream.indirect.gather [hbm4b:s11+s12], $0x80, s29, s12, $0xb8;
	[tilespmem:$0x8400] =	vst v63  }
0x4e: {  	_ =	swait.ge [sflag:s16], $0x2000  }
0x4f: {  	[sflag:s16] =	ssyncset.done $0x0  }
0x50: {  	[sflag:s16] =	ssyncadd.s32 $0xFFFFE000  }
0x51: {  	_ =	swait.ge [sflag:s14], $0x2000  }
0x52: {  	[sflag:s14] =	ssyncset.done $0x0  }
0x53: {  	s0 =	rddreg [dreg:$0x7];
	[sflag:s14] =	ssyncadd.s32 $0xFFFFE000  }
0x54: {  	[hbm4b:s0+s2] =	stream.strided.scatter [tilespmem:s2], [sflag:$0x5], $0x2000, s8, s2, $0x38;
	[tilespmem:$0x8400] =	vst v63  }
0x55: {  	s1 =	rddreg [dreg:$0x8]  }
0x56: {  	[hbm4b:s1+s2] =	stream.strided.scatter [tilespmem:s9], [sflag:$0x7], $0x2000, s8, s2, $0x38;
	[tilespmem:$0x8400] =	vst v63  }
0x57: {  	_ =	swait.ge [sflag:s7], $0x2000  }
0x58: {  	[sflag:s7] =	ssyncset.done $0x0  }
0x59: {  	[sflag:s7] =	ssyncadd.s32 $0xFFFFE000  }
0x5a: {  	_ =	swait.ge [sflag:s3], $0x2000  }
0x5b: {  	[sflag:s3] =	ssyncset.done $0x0  }
0x5c: {  	[sflag:s3] =	ssyncadd.s32 $0xFFFFE000  }
0x5d: {  	[tilespmem:s2], [sflag:$0x1] =	stream.indirect.gather [hbm4b:s11+s12], $0x80, s25, s12, $0xb8;
	[tilespmem:$0x8400] =	vst v63  }
0x5e: {  	_ = 	snop  }
0x5f: {  	[tilespmem:s9], [sflag:$0x3] =	stream.indirect.gather [hbm4b:s11+s12], $0x80, s26, s12, $0xb8;
	[tilespmem:$0x8400] =	vst v63  }
0x60: {  	_ =	swait.ge [sflag:s15], $0x2000  }
0x61: {  	[sflag:s15] =	ssyncset.done $0x0  }
0x62: {  	[sflag:s15] =	ssyncadd.s32 $0xFFFFE000  }
0x63: {  	_ =	swait.ge [sflag:s13], $0x2000  }
0x64: {  	[sflag:s13] =	ssyncset.done $0x0  }
0x65: {  	s0 =	rddreg [dreg:$0x9];
	[sflag:s13] =	ssyncadd.s32 $0xFFFFE000  }
0x66: {  	[hbm4b:s0+s2] =	stream.strided.scatter [tilespmem:s4], [sflag:$0x6], $0x2000, s8, s2, $0x38;
	[tilespmem:$0x8400] =	vst v63  }
0x67: {  	s1 =	rddreg [dreg:$0xa]  }
0x68: {  	[hbm4b:s1+s2] =	stream.strided.scatter [tilespmem:s6], [sflag:$0x8], $0x2000, s8, s2, $0x38;
	[tilespmem:$0x8400] =	vst v63  }
0x69: {  	_ =	swait.ge [sflag:s10], $0x2000  }
0x6a: {  	[sflag:s10] =	ssyncset.done $0x0  }
0x6b: {  	[sflag:s10] =	ssyncadd.s32 $0xFFFFE000  }
0x6c: {  	_ =	swait.ge [sflag:s5], $0x2000  }
0x6d: {  	[sflag:s5] =	ssyncset.done $0x0  }
0x6e: {  	[sflag:s5] =	ssyncadd.s32 $0xFFFFE000  }
0x6f: {  	[tilespmem:s4], [sflag:$0x2] =	stream.indirect.gather [hbm4b:s11+s12], $0x80, s22, s12, $0xb8;
	[tilespmem:$0x8400] =	vst v63  }
0x70: {  	_ = 	snop  }
0x71: {  	[tilespmem:s6], [sflag:$0x4] =	stream.indirect.gather [hbm4b:s11+s12], $0x80, s24, s12, $0xb8;
	[tilespmem:$0x8400] =	vst v63  }
0x72: {  	_ =	swait.ge [sflag:s16], $0x2000  }
0x73: {  	[sflag:s16] =	ssyncset.done $0x0  }
0x74: {  	[sflag:s16] =	ssyncadd.s32 $0xFFFFE000  }
0x75: {  	_ =	swait.ge [sflag:s14], $0x2000  }
0x76: {  	[sflag:s14] =	ssyncset.done $0x0  }
0x77: {  	s0 =	rddreg [dreg:$0xb];
	[sflag:s14] =	ssyncadd.s32 $0xFFFFE000  }
0x78: {  	[hbm4b:s0+s2] =	stream.strided.scatter [tilespmem:s2], [sflag:$0x5], $0x2000, s8, s2, $0x38;
	[tilespmem:$0x8400] =	vst v63  }
0x79: {  	s1 =	rddreg [dreg:$0xc]  }
0x7a: {  	[hbm4b:s1+s2] =	stream.strided.scatter [tilespmem:s9], [sflag:$0x7], $0x2000, s8, s2, $0x38;
	[tilespmem:$0x8400] =	vst v63  }
0x7b: {  	_ =	swait.ge [sflag:s7], $0x2000  }
0x7c: {  	[sflag:s7] =	ssyncset.done $0x0  }
0x7d: {  	[sflag:s7] =	ssyncadd.s32 $0xFFFFE000  }
0x7e: {  	_ =	swait.ge [sflag:s3], $0x2000  }
0x7f: {  	[sflag:s3] =	ssyncset.done $0x0  }
0x80: {  	[sflag:s3] =	ssyncadd.s32 $0xFFFFE000  }
0x81: {  	[tilespmem:s2], [sflag:$0x1] =	stream.indirect.gather [hbm4b:s11+s12], $0x80, s20, s12, $0xb8;
	[tilespmem:$0x8400] =	vst v63  }
0x82: {  	_ = 	snop  }
0x83: {  	[tilespmem:s9], [sflag:$0x3] =	stream.indirect.gather [hbm4b:s11+s12], $0x80, s21, s12, $0xb8;
	[tilespmem:$0x8400] =	vst v63  }
0x84: {  	_ =	swait.ge [sflag:s15], $0x2000  }
0x85: {  	[sflag:s15] =	ssyncset.done $0x0  }
0x86: {  	[sflag:s15] =	ssyncadd.s32 $0xFFFFE000  }
0x87: {  	_ =	swait.ge [sflag:s13], $0x2000  }
0x88: {  	[sflag:s13] =	ssyncset.done $0x0  }
0x89: {  	s0 =	rddreg [dreg:$0xd];
	[sflag:s13] =	ssyncadd.s32 $0xFFFFE000  }
0x8a: {  	[hbm4b:s0+s2] =	stream.strided.scatter [tilespmem:s4], [sflag:$0x6], $0x2000, s8, s2, $0x38;
	[tilespmem:$0x8400] =	vst v63  }
0x8b: {  	s1 =	rddreg [dreg:$0xe]  }
0x8c: {  	[hbm4b:s1+s2] =	stream.strided.scatter [tilespmem:s6], [sflag:$0x8], $0x2000, s8, s2, $0x38;
	[tilespmem:$0x8400] =	vst v63  }
0x8d: {  	_ =	swait.ge [sflag:s10], $0x2000  }
0x8e: {  	[sflag:s10] =	ssyncset.done $0x0  }
0x8f: {  	[sflag:s10] =	ssyncadd.s32 $0xFFFFE000  }
0x90: {  	_ =	swait.ge [sflag:s5], $0x2000  }
0x91: {  	[sflag:s5] =	ssyncset.done $0x0  }
0x92: {  	[sflag:s5] =	ssyncadd.s32 $0xFFFFE000  }
0x93: {  	[tilespmem:s4], [sflag:$0x2] =	stream.indirect.gather [hbm4b:s11+s12], $0x80, s18, s12, $0xb8;
	[tilespmem:$0x8400] =	vst v63  }
0x94: {  	_ = 	snop  }
0x95: {  	[tilespmem:s6], [sflag:$0x4] =	stream.indirect.gather [hbm4b:s11+s12], $0x80, s19, s12, $0xb8;
	[tilespmem:$0x8400] =	vst v63  }
0x96: {  	_ =	swait.ge [sflag:s16], $0x2000  }
0x97: {  	[sflag:s16] =	ssyncset.done $0x0  }
0x98: {  	[sflag:s16] =	ssyncadd.s32 $0xFFFFE000  }
0x99: {  	_ =	swait.ge [sflag:s14], $0x2000  }
0x9a: {  	[sflag:s14] =	ssyncset.done $0x0  }
0x9b: {  	s0 =	rddreg [dreg:$0xf];
	[sflag:s14] =	ssyncadd.s32 $0xFFFFE000  }
0x9c: {  	[hbm4b:s0+s2] =	stream.strided.scatter [tilespmem:s2], [sflag:$0x5], $0x2000, s8, s2, $0x38;
	[tilespmem:$0x8400] =	vst v63  }
0x9d: {  	s1 =	rddreg [dreg:$0x10]  }
0x9e: {  	[hbm4b:s1+s2] =	stream.strided.scatter [tilespmem:s9], [sflag:$0x7], $0x2000, s8, s2, $0x38;
	[tilespmem:$0x8400] =	vst v63  }
0x9f: {  	_ =	swait.ge [sflag:s15], $0x2000  }
0xa0: {  	[sflag:s15] =	ssyncset.done $0x0  }
0xa1: {  	[sflag:s15] =	ssyncadd.s32 $0xFFFFE000  }
0xa2: {  	_ =	swait.ge [sflag:s13], $0x2000  }
0xa3: {  	[sflag:s13] =	ssyncset.done $0x0  }
0xa4: {  	s0 =	rddreg [dreg:$0x11];
	[sflag:s13] =	ssyncadd.s32 $0xFFFFE000  }
0xa5: {  	[hbm4b:s0+s2] =	stream.strided.scatter [tilespmem:s4], [sflag:$0x6], $0x2000, s8, s2, $0x38;
	[tilespmem:$0x8400] =	vst v63  }
0xa6: {  	s1 =	rddreg [dreg:$0x12]  }
0xa7: {  	[hbm4b:s1+s2] =	stream.strided.scatter [tilespmem:s6], [sflag:$0x8], $0x2000, s8, s2, $0x38;
	[tilespmem:$0x8400] =	vst v63  }
0xa8: {  	_ =	swait.ge [sflag:s7], $0x2000  }
0xa9: {  	[sflag:s7] =	ssyncset.done $0x0  }
0xaa: {  	[sflag:s7] =	ssyncadd.s32 $0xFFFFE000  }
0xab: {  	_ =	swait.ge [sflag:s10], $0x2000  }
0xac: {  	[sflag:s10] =	ssyncset.done $0x0  }
0xad: {  	p1 =	sne.s32 s17, $0x1;
	[sflag:s10] =	ssyncadd.s32 $0xFFFFE000  }
.Ltmp1:
0xae: {  	_ =	swait.ge [sflag:s3], $0x2000;
	(pc) =	sbr.rel @!p1 .LBB2_3-.Ltmp1, $4  }
0xaf: {  	[sflag:s3] =	ssyncset.done $0x0  }
0xb0: {  	[sflag:s3] =	ssyncadd.s32 $0xFFFFE000  }
0xb1: {  	p0 =	por $0x1, $0x1;
	_ =	swait.ge [sflag:s5], $0x2000  }
0xb2: {  	s1 =	sadd.s32 $0xFFFFFFFF, s17;
	s0 =	rddreg [dreg:$0x2];
	[sflag:s5] =	ssyncset.done $0x0  }
.LBB2_4:
0xb3: {  	[sflag:s5] =	ssyncadd.s32 $0xFFFFE000  }
0xb4: {  	[tilespmem:s23], [sflag:$0x9] =	stream.linear.gather [hbm4b:s0+s23], $0x400, $0x38;
	[tilespmem:$0x8400] =	vst v63  }
0xb5: {  	_ =	swait.ge [sflag:s31], $0x400  }
0xb6: {  	[sflag:s31] =	ssyncset.done $0x0  }
0xb7: {  	[sflag:s31] =	ssyncadd.s32 $0xFFFFFC00  }
0xb8: {  	[tilespmem:s2], [sflag:$0x1] =	stream.indirect.gather [hbm4b:s11+s12], $0x80, s23, s12, $0xb8;
	[tilespmem:$0x8400] =	vst v63  }
0xb9: {  	_ = 	snop  }
0xba: {  	[tilespmem:s9], [sflag:$0x3] =	stream.indirect.gather [hbm4b:s11+s12], $0x80, s12, s12, $0xb8;
	[tilespmem:$0x8400] =	vst v63  }
0xbb: {  	s0 =	rddreg [dreg:$0x13]  }
0xbc: {  	[tilespmem:s4], [sflag:$0x2] =	stream.indirect.gather [hbm4b:s11+s12], $0x80, s0, s12, $0xb8;
	[tilespmem:$0x8400] =	vst v63  }
0xbd: {  	s17 =	rddreg [dreg:$0x14]  }
0xbe: {  	[tilespmem:s6], [sflag:$0x4] =	stream.indirect.gather [hbm4b:s11+s12], $0x80, s17, s12, $0xb8;
	[tilespmem:$0x8400] =	vst v63  }
0xbf: {  	_ =	swait.ge [sflag:s16], $0x2000  }
0xc0: {  	[sflag:s16] =	ssyncset.done $0x0  }
0xc1: {  	[sflag:s16] =	ssyncadd.s32 $0xFFFFE000  }
0xc2: {  	_ =	swait.ge [sflag:s14], $0x2000  }
0xc3: {  	[sflag:s14] =	ssyncset.done $0x0  }
0xc4: {  	s0 =	rddreg [dreg:$0x3];
	[sflag:s14] =	ssyncadd.s32 $0xFFFFE000  }
0xc5: {  	[hbm4b:s0+s2] =	stream.strided.scatter [tilespmem:s2], [sflag:$0x5], $0x2000, s8, s2, $0x38;
	[tilespmem:$0x8400] =	vst v63  }
0xc6: {  	s17 =	rddreg [dreg:$0x4]  }
0xc7: {  	[hbm4b:s17+s2] =	stream.strided.scatter [tilespmem:s9], [sflag:$0x7], $0x2000, s8, s2, $0x38;
	[tilespmem:$0x8400] =	vst v63  }
0xc8: {  	_ =	swait.ge [sflag:s7], $0x2000  }
0xc9: {  	[sflag:s7] =	ssyncset.done $0x0  }
0xca: {  	[sflag:s7] =	ssyncadd.s32 $0xFFFFE000  }
0xcb: {  	_ =	swait.ge [sflag:s3], $0x2000  }
0xcc: {  	[sflag:s3] =	ssyncset.done $0x0  }
0xcd: {  	s17 =	simm.s32 $0x100;
	[sflag:s3] =	ssyncadd.s32 $0xFFFFE000  }
0xce: {  	[tilespmem:s2], [sflag:$0x1] =	stream.indirect.gather [hbm4b:s11+s12], $0x80, s17, s12, $0xb8;
	[tilespmem:$0x8400] =	vst v63  }
0xcf: {  	_ = 	snop  }
0xd0: {  	[tilespmem:s9], [sflag:$0x3] =	stream.indirect.gather [hbm4b:s11+s12], $0x80, s30, s12, $0xb8;
	[tilespmem:$0x8400] =	vst v63  }
0xd1: {  	_ =	swait.ge [sflag:s15], $0x2000  }
0xd2: {  	[sflag:s15] =	ssyncset.done $0x0  }
0xd3: {  	[sflag:s15] =	ssyncadd.s32 $0xFFFFE000  }
0xd4: {  	_ =	swait.ge [sflag:s13], $0x2000  }
0xd5: {  	[sflag:s13] =	ssyncset.done $0x0  }
0xd6: {  	s0 =	rddreg [dreg:$0x5];
	[sflag:s13] =	ssyncadd.s32 $0xFFFFE000  }
0xd7: {  	[hbm4b:s0+s2] =	stream.strided.scatter [tilespmem:s4], [sflag:$0x6], $0x2000, s8, s2, $0x38;
	[tilespmem:$0x8400] =	vst v63  }
0xd8: {  	s17 =	rddreg [dreg:$0x6]  }
0xd9: {  	[hbm4b:s17+s2] =	stream.strided.scatter [tilespmem:s6], [sflag:$0x8], $0x2000, s8, s2, $0x38;
	[tilespmem:$0x8400] =	vst v63  }
0xda: {  	_ =	swait.ge [sflag:s10], $0x2000  }
0xdb: {  	[sflag:s10] =	ssyncset.done $0x0  }
0xdc: {  	[sflag:s10] =	ssyncadd.s32 $0xFFFFE000  }
0xdd: {  	_ =	swait.ge [sflag:s5], $0x2000  }
0xde: {  	[sflag:s5] =	ssyncset.done $0x0  }
0xdf: {  	[sflag:s5] =	ssyncadd.s32 $0xFFFFE000  }
0xe0: {  	[tilespmem:s4], [sflag:$0x2] =	stream.indirect.gather [hbm4b:s11+s12], $0x80, s28, s12, $0xb8;
	[tilespmem:$0x8400] =	vst v63  }
0xe1: {  	_ = 	snop  }
0xe2: {  	[tilespmem:s6], [sflag:$0x4] =	stream.indirect.gather [hbm4b:s11+s12], $0x80, s29, s12, $0xb8;
	[tilespmem:$0x8400] =	vst v63  }
0xe3: {  	_ =	swait.ge [sflag:s16], $0x2000  }
0xe4: {  	[sflag:s16] =	ssyncset.done $0x0  }
0xe5: {  	[sflag:s16] =	ssyncadd.s32 $0xFFFFE000  }
0xe6: {  	_ =	swait.ge [sflag:s14], $0x2000  }
0xe7: {  	[sflag:s14] =	ssyncset.done $0x0  }
0xe8: {  	s0 =	rddreg [dreg:$0x7];
	[sflag:s14] =	ssyncadd.s32 $0xFFFFE000  }
0xe9: {  	[hbm4b:s0+s2] =	stream.strided.scatter [tilespmem:s2], [sflag:$0x5], $0x2000, s8, s2, $0x38;
	[tilespmem:$0x8400] =	vst v63  }
0xea: {  	s17 =	rddreg [dreg:$0x8]  }
0xeb: {  	[hbm4b:s17+s2] =	stream.strided.scatter [tilespmem:s9], [sflag:$0x7], $0x2000, s8, s2, $0x38;
	[tilespmem:$0x8400] =	vst v63  }
0xec: {  	_ =	swait.ge [sflag:s7], $0x2000  }
0xed: {  	[sflag:s7] =	ssyncset.done $0x0  }
0xee: {  	[sflag:s7] =	ssyncadd.s32 $0xFFFFE000  }
0xef: {  	_ =	swait.ge [sflag:s3], $0x2000  }
0xf0: {  	[sflag:s3] =	ssyncset.done $0x0  }
0xf1: {  	[sflag:s3] =	ssyncadd.s32 $0xFFFFE000  }
0xf2: {  	[tilespmem:s2], [sflag:$0x1] =	stream.indirect.gather [hbm4b:s11+s12], $0x80, s25, s12, $0xb8;
	[tilespmem:$0x8400] =	vst v63  }
0xf3: {  	_ = 	snop  }
0xf4: {  	[tilespmem:s9], [sflag:$0x3] =	stream.indirect.gather [hbm4b:s11+s12], $0x80, s26, s12, $0xb8;
	[tilespmem:$0x8400] =	vst v63  }
0xf5: {  	_ =	swait.ge [sflag:s15], $0x2000  }
0xf6: {  	[sflag:s15] =	ssyncset.done $0x0  }
0xf7: {  	[sflag:s15] =	ssyncadd.s32 $0xFFFFE000  }
0xf8: {  	_ =	swait.ge [sflag:s13], $0x2000  }
0xf9: {  	[sflag:s13] =	ssyncset.done $0x0  }
0xfa: {  	s0 =	rddreg [dreg:$0x9];
	[sflag:s13] =	ssyncadd.s32 $0xFFFFE000  }
0xfb: {  	[hbm4b:s0+s2] =	stream.strided.scatter [tilespmem:s4], [sflag:$0x6], $0x2000, s8, s2, $0x38;
	[tilespmem:$0x8400] =	vst v63  }
0xfc: {  	s17 =	rddreg [dreg:$0xa]  }
0xfd: {  	[hbm4b:s17+s2] =	stream.strided.scatter [tilespmem:s6], [sflag:$0x8], $0x2000, s8, s2, $0x38;
	[tilespmem:$0x8400] =	vst v63  }
0xfe: {  	_ =	swait.ge [sflag:s10], $0x2000  }
0xff: {  	[sflag:s10] =	ssyncset.done $0x0  }
0x100: {  	[sflag:s10] =	ssyncadd.s32 $0xFFFFE000  }
0x101: {  	_ =	swait.ge [sflag:s5], $0x2000  }
0x102: {  	[sflag:s5] =	ssyncset.done $0x0  }
0x103: {  	[sflag:s5] =	ssyncadd.s32 $0xFFFFE000  }
0x104: {  	[tilespmem:s4], [sflag:$0x2] =	stream.indirect.gather [hbm4b:s11+s12], $0x80, s22, s12, $0xb8;
	[tilespmem:$0x8400] =	vst v63  }
0x105: {  	_ = 	snop  }
0x106: {  	[tilespmem:s6], [sflag:$0x4] =	stream.indirect.gather [hbm4b:s11+s12], $0x80, s24, s12, $0xb8;
	[tilespmem:$0x8400] =	vst v63  }
0x107: {  	_ =	swait.ge [sflag:s16], $0x2000  }
0x108: {  	[sflag:s16] =	ssyncset.done $0x0  }
0x109: {  	[sflag:s16] =	ssyncadd.s32 $0xFFFFE000  }
0x10a: {  	_ =	swait.ge [sflag:s14], $0x2000  }
0x10b: {  	[sflag:s14] =	ssyncset.done $0x0  }
0x10c: {  	s0 =	rddreg [dreg:$0xb];
	[sflag:s14] =	ssyncadd.s32 $0xFFFFE000  }
0x10d: {  	[hbm4b:s0+s2] =	stream.strided.scatter [tilespmem:s2], [sflag:$0x5], $0x2000, s8, s2, $0x38;
	[tilespmem:$0x8400] =	vst v63  }
0x10e: {  	s17 =	rddreg [dreg:$0xc]  }
0x10f: {  	[hbm4b:s17+s2] =	stream.strided.scatter [tilespmem:s9], [sflag:$0x7], $0x2000, s8, s2, $0x38;
	[tilespmem:$0x8400] =	vst v63  }
0x110: {  	_ =	swait.ge [sflag:s7], $0x2000  }
0x111: {  	[sflag:s7] =	ssyncset.done $0x0  }
0x112: {  	[sflag:s7] =	ssyncadd.s32 $0xFFFFE000  }
0x113: {  	_ =	swait.ge [sflag:s3], $0x2000  }
0x114: {  	[sflag:s3] =	ssyncset.done $0x0  }
0x115: {  	[sflag:s3] =	ssyncadd.s32 $0xFFFFE000  }
0x116: {  	[tilespmem:s2], [sflag:$0x1] =	stream.indirect.gather [hbm4b:s11+s12], $0x80, s20, s12, $0xb8;
	[tilespmem:$0x8400] =	vst v63  }
0x117: {  	_ = 	snop  }
0x118: {  	[tilespmem:s9], [sflag:$0x3] =	stream.indirect.gather [hbm4b:s11+s12], $0x80, s21, s12, $0xb8;
	[tilespmem:$0x8400] =	vst v63  }
0x119: {  	_ =	swait.ge [sflag:s15], $0x2000  }
0x11a: {  	[sflag:s15] =	ssyncset.done $0x0  }
0x11b: {  	[sflag:s15] =	ssyncadd.s32 $0xFFFFE000  }
0x11c: {  	_ =	swait.ge [sflag:s13], $0x2000  }
0x11d: {  	[sflag:s13] =	ssyncset.done $0x0  }
0x11e: {  	s0 =	rddreg [dreg:$0xd];
	[sflag:s13] =	ssyncadd.s32 $0xFFFFE000  }
0x11f: {  	[hbm4b:s0+s2] =	stream.strided.scatter [tilespmem:s4], [sflag:$0x6], $0x2000, s8, s2, $0x38;
	[tilespmem:$0x8400] =	vst v63  }
0x120: {  	s17 =	rddreg [dreg:$0xe]  }
0x121: {  	[hbm4b:s17+s2] =	stream.strided.scatter [tilespmem:s6], [sflag:$0x8], $0x2000, s8, s2, $0x38;
	[tilespmem:$0x8400] =	vst v63  }
0x122: {  	_ =	swait.ge [sflag:s10], $0x2000  }
0x123: {  	[sflag:s10] =	ssyncset.done $0x0  }
0x124: {  	[sflag:s10] =	ssyncadd.s32 $0xFFFFE000  }
0x125: {  	_ =	swait.ge [sflag:s5], $0x2000  }
0x126: {  	[sflag:s5] =	ssyncset.done $0x0  }
0x127: {  	[sflag:s5] =	ssyncadd.s32 $0xFFFFE000  }
0x128: {  	[tilespmem:s4], [sflag:$0x2] =	stream.indirect.gather [hbm4b:s11+s12], $0x80, s18, s12, $0xb8;
	[tilespmem:$0x8400] =	vst v63  }
0x129: {  	_ = 	snop  }
0x12a: {  	[tilespmem:s6], [sflag:$0x4] =	stream.indirect.gather [hbm4b:s11+s12], $0x80, s19, s12, $0xb8;
	[tilespmem:$0x8400] =	vst v63  }
0x12b: {  	_ =	swait.ge [sflag:s16], $0x2000  }
0x12c: {  	[sflag:s16] =	ssyncset.done $0x0  }
0x12d: {  	[sflag:s16] =	ssyncadd.s32 $0xFFFFE000  }
0x12e: {  	_ =	swait.ge [sflag:s14], $0x2000  }
0x12f: {  	[sflag:s14] =	ssyncset.done $0x0  }
0x130: {  	s0 =	rddreg [dreg:$0xf];
	[sflag:s14] =	ssyncadd.s32 $0xFFFFE000  }
0x131: {  	[hbm4b:s0+s2] =	stream.strided.scatter [tilespmem:s2], [sflag:$0x5], $0x2000, s8, s2, $0x38;
	[tilespmem:$0x8400] =	vst v63  }
0x132: {  	s17 =	rddreg [dreg:$0x10]  }
0x133: {  	[hbm4b:s17+s2] =	stream.strided.scatter [tilespmem:s9], [sflag:$0x7], $0x2000, s8, s2, $0x38;
	[tilespmem:$0x8400] =	vst v63  }
0x134: {  	_ =	swait.ge [sflag:s15], $0x2000  }
0x135: {  	[sflag:s15] =	ssyncset.done $0x0  }
0x136: {  	[sflag:s15] =	ssyncadd.s32 $0xFFFFE000  }
0x137: {  	_ =	swait.ge [sflag:s13], $0x2000  }
0x138: {  	[sflag:s13] =	ssyncset.done $0x0  }
0x139: {  	s0 =	rddreg [dreg:$0x11];
	[sflag:s13] =	ssyncadd.s32 $0xFFFFE000  }
0x13a: {  	[hbm4b:s0+s2] =	stream.strided.scatter [tilespmem:s4], [sflag:$0x6], $0x2000, s8, s2, $0x38;
	[tilespmem:$0x8400] =	vst v63  }
0x13b: {  	s17 =	rddreg [dreg:$0x12]  }
0x13c: {  	[hbm4b:s17+s2] =	stream.strided.scatter [tilespmem:s6], [sflag:$0x8], $0x2000, s8, s2, $0x38;
	[tilespmem:$0x8400] =	vst v63  }
0x13d: {  	_ =	swait.ge [sflag:s7], $0x2000  }
0x13e: {  	[sflag:s7] =	ssyncset.done $0x0  }
0x13f: {  	[sflag:s7] =	ssyncadd.s32 $0xFFFFE000  }
0x140: {  	_ =	swait.ge [sflag:s10], $0x2000  }
0x141: {  	[sflag:s10] =	ssyncset.done $0x0  }
0x142: {  	p1 =	sne.s32 s1, $0x1;
	[sflag:s10] =	ssyncadd.s32 $0xFFFFE000  }
.Ltmp2:
0x143: {  	_ =	swait.ge [sflag:s3], $0x2000;
	(pc) =	sbr.rel @p1 .LBB2_4-.Ltmp2, $4  }
0x144: {  	[sflag:s3] =	ssyncset.done $0x0  }
0x145: {  	[sflag:s3] =	ssyncadd.s32 $0xFFFFE000  }
0x146: {  	_ =	swait.ge [sflag:s5], $0x2000  }
0x147: {  	s1 =	sadd.s32 $0xFFFFFFFF, s1;
	s0 =	rddreg [dreg:$0x2];
	[sflag:s5] =	ssyncset.done $0x0  }
0x148: {  	s19 =	simm.s32 $0x140;
	s30 =	simm.s32 $0x100;
	s29 =	simm.s32 $0x1C0  }
0x149: {  	s28 =	simm.s32 $0x180;
	s26 =	simm.s32 $0x240;
	s25 =	simm.s32 $0x200  }
0x14a: {  	s24 =	simm.s32 $0x2C0;
	s22 =	simm.s32 $0x280;
	s21 =	simm.s32 $0x340  }
0x14b: {  	s20 =	simm.s32 $0x300;
	s18 =	simm.s32 $0x380;
	s17 =	stileid.u32  }
.LBB2_6:
0x14c: {  	[sflag:s5] =	ssyncadd.s32 @p0 $0xFFFFE000  }
0x14d: {  	[tilespmem:s23], [sflag:$0x9] =	stream.linear.gather [hbm4b:s0+s23], $0x400, $0x38;
	[tilespmem:$0x8400] =	vst v63  }
0x14e: {  	_ =	swait.ge [sflag:s31], $0x400  }
0x14f: {  	[sflag:s31] =	ssyncset.done $0x0  }
0x150: {  	[sflag:s31] =	ssyncadd.s32 $0xFFFFFC00  }
0x151: {  	[tilespmem:s2], [sflag:$0x1] =	stream.indirect.gather [hbm4b:s11+s12], $0x80, s23, s12, $0xb8;
	[tilespmem:$0x8400] =	vst v63  }
0x152: {  	_ = 	snop  }
0x153: {  	[tilespmem:s9], [sflag:$0x3] =	stream.indirect.gather [hbm4b:s11+s12], $0x80, s12, s12, $0xb8;
	[tilespmem:$0x8400] =	vst v63  }
0x154: {  	s31 =	rddreg [dreg:$0x13]  }
0x155: {  	[tilespmem:s4], [sflag:$0x2] =	stream.indirect.gather [hbm4b:s11+s12], $0x80, s31, s12, $0xb8;
	[tilespmem:$0x8400] =	vst v63  }
0x156: {  	s1 =	rddreg [dreg:$0x14]  }
0x157: {  	[tilespmem:s6], [sflag:$0x4] =	stream.indirect.gather [hbm4b:s11+s12], $0x80, s1, s12, $0xb8;
	[tilespmem:$0x8400] =	vst v63  }
0x158: {  	_ =	swait.ge [sflag:s16], $0x2000  }
0x159: {  	[sflag:s16] =	ssyncset.done $0x0  }
0x15a: {  	[sflag:s16] =	ssyncadd.s32 $0xFFFFE000  }
0x15b: {  	_ =	swait.ge [sflag:s14], $0x2000  }
0x15c: {  	[sflag:s14] =	ssyncset.done $0x0  }
0x15d: {  	s23 =	rddreg [dreg:$0x3];
	[sflag:s14] =	ssyncadd.s32 $0xFFFFE000  }
0x15e: {  	[hbm4b:s23+s2] =	stream.strided.scatter [tilespmem:s2], [sflag:$0x5], $0x2000, s8, s2, $0x38;
	[tilespmem:$0x8400] =	vst v63  }
0x15f: {  	s31 =	rddreg [dreg:$0x4]  }
0x160: {  	[hbm4b:s31+s2] =	stream.strided.scatter [tilespmem:s9], [sflag:$0x7], $0x2000, s8, s2, $0x38;
	[tilespmem:$0x8400] =	vst v63  }
0x161: {  	_ =	swait.ge [sflag:s7], $0x2000  }
0x162: {  	[sflag:s7] =	ssyncset.done $0x0  }
0x163: {  	[sflag:s7] =	ssyncadd.s32 $0xFFFFE000  }
0x164: {  	_ =	swait.ge [sflag:s3], $0x2000  }
0x165: {  	[sflag:s3] =	ssyncset.done $0x0  }
0x166: {  	[sflag:s3] =	ssyncadd.s32 $0xFFFFE000  }
0x167: {  	[tilespmem:s2], [sflag:$0x1] =	stream.indirect.gather [hbm4b:s11+s12], $0x80, s30, s12, $0xb8;
	[tilespmem:$0x8400] =	vst v63  }
0x168: {  	_ = 	snop  }
0x169: {  	[tilespmem:s9], [sflag:$0x3] =	stream.indirect.gather [hbm4b:s11+s12], $0x80, s19, s12, $0xb8;
	[tilespmem:$0x8400] =	vst v63  }
0x16a: {  	_ =	swait.ge [sflag:s15], $0x2000  }
0x16b: {  	[sflag:s15] =	ssyncset.done $0x0  }
0x16c: {  	[sflag:s15] =	ssyncadd.s32 $0xFFFFE000  }
0x16d: {  	_ =	swait.ge [sflag:s13], $0x2000  }
0x16e: {  	[sflag:s13] =	ssyncset.done $0x0  }
0x16f: {  	s19 =	rddreg [dreg:$0x5];
	[sflag:s13] =	ssyncadd.s32 $0xFFFFE000  }
0x170: {  	[hbm4b:s19+s2] =	stream.strided.scatter [tilespmem:s4], [sflag:$0x6], $0x2000, s8, s2, $0x38;
	[tilespmem:$0x8400] =	vst v63  }
0x171: {  	s23 =	rddreg [dreg:$0x6]  }
0x172: {  	[hbm4b:s23+s2] =	stream.strided.scatter [tilespmem:s6], [sflag:$0x8], $0x2000, s8, s2, $0x38;
	[tilespmem:$0x8400] =	vst v63  }
0x173: {  	_ =	swait.ge [sflag:s10], $0x2000  }
0x174: {  	[sflag:s10] =	ssyncset.done $0x0  }
0x175: {  	[sflag:s10] =	ssyncadd.s32 $0xFFFFE000  }
0x176: {  	_ =	swait.ge [sflag:s5], $0x2000  }
0x177: {  	[sflag:s5] =	ssyncset.done $0x0  }
0x178: {  	[sflag:s5] =	ssyncadd.s32 $0xFFFFE000  }
0x179: {  	[tilespmem:s4], [sflag:$0x2] =	stream.indirect.gather [hbm4b:s11+s12], $0x80, s28, s12, $0xb8;
	[tilespmem:$0x8400] =	vst v63  }
0x17a: {  	_ = 	snop  }
0x17b: {  	[tilespmem:s6], [sflag:$0x4] =	stream.indirect.gather [hbm4b:s11+s12], $0x80, s29, s12, $0xb8;
	[tilespmem:$0x8400] =	vst v63  }
0x17c: {  	_ =	swait.ge [sflag:s16], $0x2000  }
0x17d: {  	[sflag:s16] =	ssyncset.done $0x0  }
0x17e: {  	[sflag:s16] =	ssyncadd.s32 $0xFFFFE000  }
0x17f: {  	_ =	swait.ge [sflag:s14], $0x2000  }
0x180: {  	[sflag:s14] =	ssyncset.done $0x0  }
0x181: {  	s30 =	rddreg [dreg:$0x7];
	[sflag:s14] =	ssyncadd.s32 $0xFFFFE000  }
0x182: {  	[hbm4b:s30+s2] =	stream.strided.scatter [tilespmem:s2], [sflag:$0x5], $0x2000, s8, s2, $0x38;
	[tilespmem:$0x8400] =	vst v63  }
0x183: {  	s31 =	rddreg [dreg:$0x8]  }
0x184: {  	[hbm4b:s31+s2] =	stream.strided.scatter [tilespmem:s9], [sflag:$0x7], $0x2000, s8, s2, $0x38;
	[tilespmem:$0x8400] =	vst v63  }
0x185: {  	_ =	swait.ge [sflag:s7], $0x2000  }
0x186: {  	[sflag:s7] =	ssyncset.done $0x0  }
0x187: {  	[sflag:s7] =	ssyncadd.s32 $0xFFFFE000  }
0x188: {  	_ =	swait.ge [sflag:s3], $0x2000  }
0x189: {  	[sflag:s3] =	ssyncset.done $0x0  }
0x18a: {  	[sflag:s3] =	ssyncadd.s32 $0xFFFFE000  }
0x18b: {  	[tilespmem:s2], [sflag:$0x1] =	stream.indirect.gather [hbm4b:s11+s12], $0x80, s25, s12, $0xb8;
	[tilespmem:$0x8400] =	vst v63  }
0x18c: {  	_ = 	snop  }
0x18d: {  	[tilespmem:s9], [sflag:$0x3] =	stream.indirect.gather [hbm4b:s11+s12], $0x80, s26, s12, $0xb8;
	[tilespmem:$0x8400] =	vst v63  }
0x18e: {  	_ =	swait.ge [sflag:s15], $0x2000  }
0x18f: {  	[sflag:s15] =	ssyncset.done $0x0  }
0x190: {  	[sflag:s15] =	ssyncadd.s32 $0xFFFFE000  }
0x191: {  	_ =	swait.ge [sflag:s13], $0x2000  }
0x192: {  	[sflag:s13] =	ssyncset.done $0x0  }
0x193: {  	s1 =	rddreg [dreg:$0x9];
	[sflag:s13] =	ssyncadd.s32 $0xFFFFE000  }
0x194: {  	[hbm4b:s1+s2] =	stream.strided.scatter [tilespmem:s4], [sflag:$0x6], $0x2000, s8, s2, $0x38;
	[tilespmem:$0x8400] =	vst v63  }
0x195: {  	s19 =	rddreg [dreg:$0xa]  }
0x196: {  	[hbm4b:s19+s2] =	stream.strided.scatter [tilespmem:s6], [sflag:$0x8], $0x2000, s8, s2, $0x38;
	[tilespmem:$0x8400] =	vst v63  }
0x197: {  	_ =	swait.ge [sflag:s10], $0x2000  }
0x198: {  	[sflag:s10] =	ssyncset.done $0x0  }
0x199: {  	[sflag:s10] =	ssyncadd.s32 $0xFFFFE000  }
0x19a: {  	_ =	swait.ge [sflag:s5], $0x2000  }
0x19b: {  	[sflag:s5] =	ssyncset.done $0x0  }
0x19c: {  	[sflag:s5] =	ssyncadd.s32 $0xFFFFE000  }
0x19d: {  	[tilespmem:s4], [sflag:$0x2] =	stream.indirect.gather [hbm4b:s11+s12], $0x80, s22, s12, $0xb8;
	[tilespmem:$0x8400] =	vst v63  }
0x19e: {  	_ = 	snop  }
0x19f: {  	[tilespmem:s6], [sflag:$0x4] =	stream.indirect.gather [hbm4b:s11+s12], $0x80, s24, s12, $0xb8;
	[tilespmem:$0x8400] =	vst v63  }
0x1a0: {  	_ =	swait.ge [sflag:s16], $0x2000  }
0x1a1: {  	[sflag:s16] =	ssyncset.done $0x0  }
0x1a2: {  	[sflag:s16] =	ssyncadd.s32 $0xFFFFE000  }
0x1a3: {  	_ =	swait.ge [sflag:s14], $0x2000  }
0x1a4: {  	[sflag:s14] =	ssyncset.done $0x0  }
0x1a5: {  	s22 =	rddreg [dreg:$0xb];
	[sflag:s14] =	ssyncadd.s32 $0xFFFFE000  }
0x1a6: {  	[hbm4b:s22+s2] =	stream.strided.scatter [tilespmem:s2], [sflag:$0x5], $0x2000, s8, s2, $0x38;
	[tilespmem:$0x8400] =	vst v63  }
0x1a7: {  	s23 =	rddreg [dreg:$0xc]  }
0x1a8: {  	[hbm4b:s23+s2] =	stream.strided.scatter [tilespmem:s9], [sflag:$0x7], $0x2000, s8, s2, $0x38;
	[tilespmem:$0x8400] =	vst v63  }
0x1a9: {  	_ =	swait.ge [sflag:s7], $0x2000  }
0x1aa: {  	[sflag:s7] =	ssyncset.done $0x0  }
0x1ab: {  	[sflag:s7] =	ssyncadd.s32 $0xFFFFE000  }
0x1ac: {  	_ =	swait.ge [sflag:s3], $0x2000  }
0x1ad: {  	[sflag:s3] =	ssyncset.done $0x0  }
0x1ae: {  	[sflag:s3] =	ssyncadd.s32 $0xFFFFE000  }
0x1af: {  	[tilespmem:s2], [sflag:$0x1] =	stream.indirect.gather [hbm4b:s11+s12], $0x80, s20, s12, $0xb8;
	[tilespmem:$0x8400] =	vst v63  }
0x1b0: {  	_ = 	snop  }
0x1b1: {  	[tilespmem:s9], [sflag:$0x3] =	stream.indirect.gather [hbm4b:s11+s12], $0x80, s21, s12, $0xb8;
	[tilespmem:$0x8400] =	vst v63  }
0x1b2: {  	_ =	swait.ge [sflag:s15], $0x2000  }
0x1b3: {  	[sflag:s15] =	ssyncset.done $0x0  }
0x1b4: {  	[sflag:s15] =	ssyncadd.s32 $0xFFFFE000  }
0x1b5: {  	_ =	swait.ge [sflag:s13], $0x2000  }
0x1b6: {  	[sflag:s13] =	ssyncset.done $0x0  }
0x1b7: {  	s24 =	rddreg [dreg:$0xd];
	[sflag:s13] =	ssyncadd.s32 $0xFFFFE000  }
0x1b8: {  	[hbm4b:s24+s2] =	stream.strided.scatter [tilespmem:s4], [sflag:$0x6], $0x2000, s8, s2, $0x38;
	[tilespmem:$0x8400] =	vst v63  }
0x1b9: {  	s25 =	rddreg [dreg:$0xe]  }
0x1ba: {  	[hbm4b:s25+s2] =	stream.strided.scatter [tilespmem:s6], [sflag:$0x8], $0x2000, s8, s2, $0x38;
	[tilespmem:$0x8400] =	vst v63  }
0x1bb: {  	_ =	swait.ge [sflag:s10], $0x2000  }
0x1bc: {  	[sflag:s10] =	ssyncset.done $0x0  }
0x1bd: {  	[sflag:s10] =	ssyncadd.s32 $0xFFFFE000  }
0x1be: {  	_ =	swait.ge [sflag:s5], $0x2000  }
0x1bf: {  	[sflag:s5] =	ssyncset.done $0x0  }
0x1c0: {  	[sflag:s5] =	ssyncadd.s32 $0xFFFFE000  }
0x1c1: {  	[tilespmem:s4], [sflag:$0x2] =	stream.indirect.gather [hbm4b:s11+s12], $0x80, s18, s12, $0xb8;
	[tilespmem:$0x8400] =	vst v63  }
0x1c2: {  	s26 =	simm.s32 $0x3C0  }
0x1c3: {  	[tilespmem:s6], [sflag:$0x4] =	stream.indirect.gather [hbm4b:s11+s12], $0x80, s26, s12, $0xb8;
	[tilespmem:$0x8400] =	vst v63  }
0x1c4: {  	_ =	swait.ge [sflag:s16], $0x2000  }
0x1c5: {  	[sflag:s16] =	ssyncset.done $0x0  }
0x1c6: {  	[sflag:s16] =	ssyncadd.s32 $0xFFFFE000  }
0x1c7: {  	_ =	swait.ge [sflag:s14], $0x2000  }
0x1c8: {  	[sflag:s14] =	ssyncset.done $0x0  }
0x1c9: {  	s28 =	rddreg [dreg:$0xf];
	[sflag:s14] =	ssyncadd.s32 $0xFFFFE000  }
0x1ca: {  	[hbm4b:s28+s2] =	stream.strided.scatter [tilespmem:s2], [sflag:$0x5], $0x2000, s8, s2, $0x38;
	[tilespmem:$0x8400] =	vst v63  }
0x1cb: {  	s29 =	rddreg [dreg:$0x10]  }
0x1cc: {  	[hbm4b:s29+s2] =	stream.strided.scatter [tilespmem:s9], [sflag:$0x7], $0x2000, s8, s2, $0x38;
	[tilespmem:$0x8400] =	vst v63  }
0x1cd: {  	_ =	swait.ge [sflag:s15], $0x2000  }
0x1ce: {  	[sflag:s15] =	ssyncset.done $0x0  }
0x1cf: {  	[sflag:s15] =	ssyncadd.s32 $0xFFFFE000  }
0x1d0: {  	_ =	swait.ge [sflag:s13], $0x2000  }
0x1d1: {  	[sflag:s13] =	ssyncset.done $0x0  }
0x1d2: {  	s30 =	rddreg [dreg:$0x11];
	[sflag:s13] =	ssyncadd.s32 $0xFFFFE000  }
0x1d3: {  	[hbm4b:s30+s2] =	stream.strided.scatter [tilespmem:s4], [sflag:$0x6], $0x2000, s8, s2, $0x38;
	[tilespmem:$0x8400] =	vst v63  }
0x1d4: {  	s31 =	rddreg [dreg:$0x12]  }
0x1d5: {  	[hbm4b:s31+s2] =	stream.strided.scatter [tilespmem:s6], [sflag:$0x8], $0x2000, s8, s2, $0x38;
	[tilespmem:$0x8400] =	vst v63  }
0x1d6: {  	_ =	swait.ge [sflag:s7], $0x2000  }
0x1d7: {  	[sflag:s7] =	ssyncset.done $0x0  }
0x1d8: {  	[sflag:s7] =	ssyncadd.s32 $0xFFFFE000  }
0x1d9: {  	_ =	swait.ge [sflag:s10], $0x2000  }
0x1da: {  	[sflag:s10] =	ssyncset.done $0x0  }
0x1db: {  	[sflag:s10] =	ssyncadd.s32 $0xFFFFE000  }
0x1dc: {  	_ =	swait.ge [sflag:s3], $0x2000  }
0x1dd: {  	[sflag:s3] =	ssyncset.done $0x0  }
0x1de: {  	[sflag:s3] =	ssyncadd.s32 $0xFFFFE000  }
0x1df: {  	_ =	swait.ge [sflag:s5], $0x2000  }
0x1e0: {  	[sflag:s5] =	ssyncset.done $0x0  }
0x1e1: {  	[sflag:s5] =	ssyncadd.s32 $0xFFFFE000  }
0x1e2: {  	_ =	sfence.sel $0x180000  }
0x1e3: {  	[bflag:$0x0] =	sbarrier.arrive $0xFFFF  }
0x1e4: {  	_ =	strace $0x90000047  }
0x1e5: {  	[bflag:$0x2] =	sbarrier.arrive $0xFFFF  }
0x1e6: {  	p0 =	sne.s32 s17, $0x0;
	s0 =	rddreg [dreg:$0x1]  }
0x1e7: {  	s0 =	sadd.s32 @!p0 $0x100000, s0  }
0x1e8: {  	[sflag:s0] =	ssyncadd.tile.s32 @!p0 $0x1;
	_ =	shalt  }
.LBB2_1:
.Ltmp3:
0x1e9: {  	(pc) =	sbr.rel .LBB2_6-.Ltmp3, $4  }
0x1ea: {  	s19 =	simm.s32 $0x140;
	s30 =	simm.s32 $0x100  }
0x1eb: {  	s29 =	simm.s32 $0x1C0;
	s28 =	simm.s32 $0x180;
	s26 =	simm.s32 $0x240  }
0x1ec: {  	s25 =	simm.s32 $0x200;
	s24 =	simm.s32 $0x2C0;
	s22 =	simm.s32 $0x280  }
0x1ed: {  	s21 =	simm.s32 $0x340;
	s20 =	simm.s32 $0x300;
	s18 =	simm.s32 $0x380  }
.LBB2_3:
.Ltmp4:
0x1ee: {  	(pc) =	sbr.rel .LBB2_6-.Ltmp4, $4  }
0x1ef: {  	s19 =	simm.s32 $0x140;
	s30 =	simm.s32 $0x100;
	s29 =	simm.s32 $0x1C0  }
0x1f0: {  	s28 =	simm.s32 $0x180;
	s26 =	simm.s32 $0x240;
	s25 =	simm.s32 $0x200  }
0x1f1: {  	s24 =	simm.s32 $0x2C0;
	s22 =	simm.s32 $0x280;
	s21 =	simm.s32 $0x340  }
0x1f2: {  	s20 =	simm.s32 $0x300;
	s18 =	simm.s32 $0x380;
	s17 =	stileid.u32  }
.Lfunc_end2:
_tile_overlayer_lowered:
.L_overlay_start_2:
0x1f3: {  	(tag) =	ssettag $0x2  }
0x1f4: {  	s0 =	rddreg [dreg:$0x0];
	s2 =	stileid.u32  }
0x1f5: {  	s1 =	rddreg [dreg:$0x1];
	p0 =	sne.s32 s2, $0x0  }
0x1f6: {  	s3 =	rddreg [dreg:$0x2];
	[bflag:$0x3] =	sbarrier.arrive $0xFFFF;
	s2 =	simm.s32 @!p0 $0x1C09  }
0x1f7: {  	[timem:s3], [sflag:s2] =	dma.local @!p0 [hbm:s0], s1  }
0x1f8: {  	s0 =	simm.s32 @!p0 $0x9  }
0x1f9: {  	_ =	swait.ge @!p0 [sflag:s0], s1  }
0x1fa: {  	s1 =	ssub.s32 @!p0 $0x0, s1;
	[sflag:s0] =	ssyncset.done @!p0 $0x0  }
0x1fb: {  	[sflag:s0] =	ssyncadd.s32 @!p0 s1  }
0x1fc: {  	[bflag:$0x3] =	sbarrier.arrive $0xFFFF  }
0x1fd: {  	_ =	shalt  }

</sc_bundles>
